<compile_context>
chip_gen: v7x
topology: tpu7x:2x2x1
jax: 0.10.2.dev20260603
libtpu: 0.0.44.dev20260713+nightly
codegen_flags: <defaults>
</compile_context>

<pallas_src>
import functools

import jax
import jax.numpy as jnp
from jax import lax
from jax.experimental import pallas as pl
from jax.experimental.pallas import tpu as pltpu
from jax.experimental.pallas import tpu_sc as plsc

N_NODES = 10000
N_EDGES = 320000
D_FEAT = 128

NC = 2
NS = 16
NW = NC * NS
E_PER_W = N_EDGES // NW
CHUNK = 40
NSTEP = E_PER_W // CHUNK
ROWS_PER_TILE = N_NODES // NS
DEG_W = 8
NBUF = 5


def _sc_body(feat, srcr, dstr, z128, zdeg, ones_hbm,
             psum, pdeg,
             sidx, didx, ones_v, accum_sh, deg_sh, *rest):
    rows = rest[:NBUF]
    gsem = rest[NBUF:2 * NBUF]
    ssem = rest[2 * NBUF:3 * NBUF]
    dsem = rest[3 * NBUF:]
    c = lax.axis_index("c")
    s = lax.axis_index("s")
    wid = c * NS + s

    pltpu.sync_copy(srcr.at[wid], sidx)
    for b in range(NBUF - 1):
        pltpu.async_copy(feat.at[sidx.at[b]], rows[b], gsem[b])

    pltpu.sync_copy(z128, accum_sh.at[pl.ds(s * ROWS_PER_TILE, ROWS_PER_TILE)])
    pltpu.sync_copy(zdeg, deg_sh.at[pl.ds(s * ROWS_PER_TILE, ROWS_PER_TILE)])
    pltpu.sync_copy(dstr.at[wid], didx)
    pltpu.sync_copy(ones_hbm, ones_v)
    plsc.subcore_barrier()

    def outer(g, carry):
        for b in range(NBUF):
            prev = (b - 1) % NBUF
            j = g * NBUF + b
            pltpu.make_async_copy(feat.at[sidx.at[j]], rows[b], gsem[b]).wait()
            pltpu.async_copy(rows[b], accum_sh.at[didx.at[j]], ssem[b],
                             add=True)
            pltpu.async_copy(ones_v, deg_sh.at[didx.at[j]], dsem[b], add=True)

            @pl.when(j > 0)
            def _():
                pltpu.make_async_copy(
                    rows[prev], accum_sh.at[didx.at[j]], ssem[prev]).wait()
                pltpu.make_async_copy(
                    ones_v, deg_sh.at[didx.at[j]], dsem[prev]).wait()

            @pl.when(j + NBUF - 1 < NSTEP)
            def _():
                pltpu.async_copy(feat.at[sidx.at[j + NBUF - 1]], rows[prev],
                                 gsem[prev])
        return carry

    lax.fori_loop(0, NSTEP // NBUF, outer, 0)
    last = (NSTEP - 1) % NBUF
    pltpu.make_async_copy(rows[last], accum_sh.at[didx.at[NSTEP - 1]],
                          ssem[last]).wait()
    pltpu.make_async_copy(ones_v, deg_sh.at[didx.at[NSTEP - 1]],
                          dsem[last]).wait()
    plsc.subcore_barrier()

    r0 = s * ROWS_PER_TILE
    pltpu.sync_copy(accum_sh.at[pl.ds(r0, ROWS_PER_TILE)],
                    psum.at[c].at[pl.ds(r0, ROWS_PER_TILE)])
    pltpu.sync_copy(deg_sh.at[pl.ds(r0, ROWS_PER_TILE)],
                    pdeg.at[c].at[pl.ds(r0, ROWS_PER_TILE)])


_sc_call = functools.partial(
    pl.kernel,
    out_type=(
        jax.ShapeDtypeStruct((NC, N_NODES, D_FEAT), jnp.float32),
        jax.ShapeDtypeStruct((NC, N_NODES, DEG_W), jnp.float32),
    ),
    mesh=plsc.VectorSubcoreMesh(core_axis_name="c", subcore_axis_name="s"),
    compiler_params=pltpu.CompilerParams(use_tc_tiling_on_sc=False),
    scratch_types=(
        [
            pltpu.VMEM((NSTEP, CHUNK), jnp.int32),
            pltpu.VMEM((NSTEP, CHUNK), jnp.int32),
            pltpu.VMEM((CHUNK, DEG_W), jnp.float32),
            pltpu.VMEM_SHARED((N_NODES, D_FEAT), jnp.float32),
            pltpu.VMEM_SHARED((N_NODES, DEG_W), jnp.float32),
        ]
        + [pltpu.VMEM((CHUNK, D_FEAT), jnp.float32) for _ in range(NBUF)]
        + [pltpu.SemaphoreType.DMA for _ in range(3 * NBUF)]
    ),
)(_sc_body)


def _combine_body(psum_ref, pdeg_ref, out_ref):
    ssum = psum_ref[0] + psum_ref[1]
    deg = pdeg_ref[0, :, 0:1] + pdeg_ref[1, :, 0:1]
    out_ref[...] = ssum / jnp.maximum(deg, 1.0)


_ROWS_BLK = 10000


def _combine(psum, pdeg):
    return pl.pallas_call(
        _combine_body,
        grid=(N_NODES // _ROWS_BLK,),
        in_specs=[
            pl.BlockSpec((NC, _ROWS_BLK, D_FEAT), lambda i: (0, i, 0)),
            pl.BlockSpec((NC, _ROWS_BLK, DEG_W), lambda i: (0, i, 0)),
        ],
        out_specs=pl.BlockSpec((_ROWS_BLK, D_FEAT), lambda i: (i, 0)),
        out_shape=jax.ShapeDtypeStruct((N_NODES, D_FEAT), jnp.float32),
    )(psum, pdeg)


def kernel(features, edge_index):
    src = edge_index[0].astype(jnp.int32).reshape(NW, NSTEP, CHUNK)
    dst = edge_index[1].astype(jnp.int32).reshape(NW, NSTEP, CHUNK)
    z128 = jnp.zeros((ROWS_PER_TILE, D_FEAT), jnp.float32)
    zdeg = jnp.zeros((ROWS_PER_TILE, DEG_W), jnp.float32)
    ones = jnp.ones((CHUNK, DEG_W), jnp.float32)
    psum, pdeg = _sc_call(features, src, dst, z128, zdeg, ones)
    return _combine(psum, pdeg)

# --- scband reference (transcript-rebuilt; emitter-appended) ---
"""Pipeline reference for scband-graph-sage-kernel-layer-49065706389976 (READ-ONLY COPY).

The authoritative reference and input builder live on the scoring server;
editing this copy changes nothing except your own understanding.
"""

import jax, jax.numpy as jnp
import numpy as np

N_NODES = 10000
N_EDGES = 320000
D_FEAT = 128

def setup_inputs(seed: int = 0) -> dict:
    key = jax.random.key(seed)
    k1, k2 = jax.random.split(key)
    features = jax.random.normal(k1, (N_NODES, D_FEAT), dtype=jnp.float32)
    edge_index = jax.random.randint(k2, (2, N_EDGES), 0, N_NODES, dtype=jnp.int64) if jax.config.jax_enable_x64 else jax.random.randint(k2, (2, N_EDGES), 0, N_NODES, dtype=jnp.int32)
    return {"features": features, "edge_index": edge_index}

def reference(features, edge_index):
    # DGL update_all(copy_src('h','m'), mean('m','h')):
    # each dst node receives src features of its in-edges and averages them.
    src = edge_index[0]
    dst = edge_index[1]
    msgs = jnp.take(features, src, axis=0)                      # gather: copy_src
    summed = jax.ops.segment_sum(msgs, dst, num_segments=N_NODES)  # scatter-add
    deg = jax.ops.segment_sum(jnp.ones((msgs.shape[0],), dtype=features.dtype), dst, num_segments=N_NODES)
    h = summed / jnp.maximum(deg, 1.0)[:, None]                 # mean (safe for 0-degree)
    # residual=False, so no skip connection. Original returns (graph, h); graph carries no tensors we need.
    return h

if __name__ == "__main__":
    import jax
    _d = setup_inputs()
    print(jax.jit(kernel)(*tuple(_d.values())))

</pallas_src>

<mosaic_0001>
#map = affine_map<(d0, d1) -> (0, 0)>
#map1 = affine_map<(d0, d1) -> (0, 0, 0)>
module attributes {stable_mosaic.version = 14 : i64} {
  func.func @_sc_body(%arg0: i32, %arg1: i32, %arg2: memref<10000x128xf32, #tpu.memory_space<hbm>>, %arg3: memref<32x250x40xi32, #tpu.memory_space<hbm>>, %arg4: memref<32x250x40xi32, #tpu.memory_space<hbm>>, %arg5: memref<625x128xf32, #tpu.memory_space<hbm>>, %arg6: memref<625x8xf32, #tpu.memory_space<hbm>>, %arg7: memref<40x8xf32, #tpu.memory_space<hbm>>, %arg8: memref<2x10000x128xf32, #tpu.memory_space<hbm>>, %arg9: memref<2x10000x8xf32, #tpu.memory_space<hbm>>, %arg10: memref<250x40xi32, #tpu.memory_space<vmem>>, %arg11: memref<250x40xi32, #tpu.memory_space<vmem>>, %arg12: memref<40x8xf32, #tpu.memory_space<vmem>>, %arg13: memref<10000x128xf32, #tpu.memory_space<vmem_shared>>, %arg14: memref<10000x8xf32, #tpu.memory_space<vmem_shared>>, %arg15: memref<40x128xf32, #tpu.memory_space<vmem>>, %arg16: memref<40x128xf32, #tpu.memory_space<vmem>>, %arg17: memref<40x128xf32, #tpu.memory_space<vmem>>, %arg18: memref<40x128xf32, #tpu.memory_space<vmem>>, %arg19: memref<40x128xf32, #tpu.memory_space<vmem>>, %arg20: memref<!tpu.dma_semaphore, #tpu.memory_space<semaphore_mem>>, %arg21: memref<!tpu.dma_semaphore, #tpu.memory_space<semaphore_mem>>, %arg22: memref<!tpu.dma_semaphore, #tpu.memory_space<semaphore_mem>>, %arg23: memref<!tpu.dma_semaphore, #tpu.memory_space<semaphore_mem>>, %arg24: memref<!tpu.dma_semaphore, #tpu.memory_space<semaphore_mem>>, %arg25: memref<!tpu.dma_semaphore, #tpu.memory_space<semaphore_mem>>, %arg26: memref<!tpu.dma_semaphore, #tpu.memory_space<semaphore_mem>>, %arg27: memref<!tpu.dma_semaphore, #tpu.memory_space<semaphore_mem>>, %arg28: memref<!tpu.dma_semaphore, #tpu.memory_space<semaphore_mem>>, %arg29: memref<!tpu.dma_semaphore, #tpu.memory_space<semaphore_mem>>, %arg30: memref<!tpu.dma_semaphore, #tpu.memory_space<semaphore_mem>>, %arg31: memref<!tpu.dma_semaphore, #tpu.memory_space<semaphore_mem>>, %arg32: memref<!tpu.dma_semaphore, #tpu.memory_space<semaphore_mem>>, %arg33: memref<!tpu.dma_semaphore, #tpu.memory_space<semaphore_mem>>, %arg34: memref<!tpu.dma_semaphore, #tpu.memory_space<semaphore_mem>>) attributes {dimension_semantics = [#tpu.dimension_semantics<core_parallel>, #tpu.dimension_semantics<subcore_parallel>], iteration_bounds = array<i64: 2, 16>, scalar_prefetch = 0 : i64, scratch_operands = 25 : i64, tpu.core_type = #tpu.core_type<sc_vector_subcore>, window_params = [{transform_indices = #map}, {transform_indices = #map1}, {transform_indices = #map1}, {transform_indices = #map}, {transform_indices = #map}, {transform_indices = #map}, {transform_indices = #map1}, {transform_indices = #map1}]} {
    %mul3A = arith.constant 16 : i32
    %mul3A_0 = arith.muli %arg0, %mul3A : i32
    %add3A = arith.addi %mul3A_0, %arg1 : i32
    "tpu.region"() ({
      %run_scoped3A = tpu.sem_alloc : memref<!tpu.dma_semaphore, #tpu.memory_space<semaphore_mem>>
      %dma_start3A_53 = arith.constant 0 : i32
      %dma_start3A_54 = arith.constant 0 : i32
      %dma_start3A_55 = tpu.memref_slice %arg3[%add3A, %dma_start3A_53, %dma_start3A_54] : memref<32x250x40xi32, #tpu.memory_space<hbm>> -> memref<1x250x40xi32, #tpu.memory_space<hbm>>
      %dma_start3A_56 = tpu.memref_squeeze %dma_start3A_55 : memref<1x250x40xi32, #tpu.memory_space<hbm>> -> memref<250x40xi32, #tpu.memory_space<hbm>>
      %dma_start3A_57 = arith.constant 0 : i32
      %dma_start3A_58 = arith.constant 0 : i32
      %dma_start3A_59 = tpu.memref_slice %arg3[%add3A, %dma_start3A_57, %dma_start3A_58] : memref<32x250x40xi32, #tpu.memory_space<hbm>> -> memref<1x250x40xi32, #tpu.memory_space<hbm>>
      %dma_start3A_60 = tpu.memref_squeeze %dma_start3A_59 : memref<1x250x40xi32, #tpu.memory_space<hbm>> -> memref<250x40xi32, #tpu.memory_space<hbm>>
      tpu.enqueue_dma source(%dma_start3A_60 : memref<250x40xi32, #tpu.memory_space<hbm>>) target(%arg10 : memref<250x40xi32, #tpu.memory_space<vmem>>) target_semaphore(%run_scoped3A : memref<!tpu.dma_semaphore, #tpu.memory_space<semaphore_mem>>)
      %dma_wait3A_61 = arith.constant 0 : i32
      %dma_wait3A_62 = arith.constant 0 : i32
      %dma_wait3A_63 = tpu.memref_slice %arg3[%add3A, %dma_wait3A_61, %dma_wait3A_62] : memref<32x250x40xi32, #tpu.memory_space<hbm>> -> memref<1x250x40xi32, #tpu.memory_space<hbm>>
      %dma_wait3A_64 = tpu.memref_squeeze %dma_wait3A_63 : memref<1x250x40xi32, #tpu.memory_space<hbm>> -> memref<250x40xi32, #tpu.memory_space<hbm>>
      %dma_wait3A_65 = arith.constant 0 : i32
      %dma_wait3A_66 = arith.constant 0 : i32
      %dma_wait3A_67 = tpu.memref_slice %arg3[%add3A, %dma_wait3A_65, %dma_wait3A_66] : memref<32x250x40xi32, #tpu.memory_space<hbm>> -> memref<1x250x40xi32, #tpu.memory_space<hbm>>
      %dma_wait3A_68 = tpu.memref_squeeze %dma_wait3A_67 : memref<1x250x40xi32, #tpu.memory_space<hbm>> -> memref<250x40xi32, #tpu.memory_space<hbm>>
      tpu.wait_dma2 semaphore(%run_scoped3A : memref<!tpu.dma_semaphore, #tpu.memory_space<semaphore_mem>>) src(%dma_wait3A_68 : memref<250x40xi32, #tpu.memory_space<hbm>>) dst(%arg10 : memref<250x40xi32, #tpu.memory_space<vmem>>)
      tpu.yield
    }) : () -> ()
    %dma_start3A = arith.constant 0 : i32
    %dma_start3A_1 = arith.constant 0 : i32
    %dma_start3A_2 = tpu.memref_slice %arg10[%dma_start3A, %dma_start3A_1] : memref<250x40xi32, #tpu.memory_space<vmem>> -> memref<1x40xi32, #tpu.memory_space<vmem>>
    %dma_start3A_3 = tpu.memref_squeeze %dma_start3A_2 : memref<1x40xi32, #tpu.memory_space<vmem>> -> memref<40xi32, #tpu.memory_space<vmem>>
    %dma_start3A_4 = arith.constant 0 : i32
    %dma_start3A_5 = arith.constant 0 : i32
    %dma_start3A_6 = tpu.memref_slice %arg2[%dma_start3A_4, %dma_start3A_5] : memref<10000x128xf32, #tpu.memory_space<hbm>> -> memref<10000x128xf32, #tpu.memory_space<hbm>>
    tpu.enqueue_indirect_dma source(%dma_start3A_6 : memref<10000x128xf32, #tpu.memory_space<hbm>>) target(%arg15 : memref<40x128xf32, #tpu.memory_space<vmem>>) offsets(%dma_start3A_3 : memref<40xi32, #tpu.memory_space<vmem>>) semaphore(%arg20 : memref<!tpu.dma_semaphore, #tpu.memory_space<semaphore_mem>>)
    %dma_start3A_7 = arith.constant 1 : i32
    %dma_start3A_8 = arith.constant 0 : i32
    %dma_start3A_9 = tpu.memref_slice %arg10[%dma_start3A_7, %dma_start3A_8] : memref<250x40xi32, #tpu.memory_space<vmem>> -> memref<1x40xi32, #tpu.memory_space<vmem>>
    %dma_start3A_10 = tpu.memref_squeeze %dma_start3A_9 : memref<1x40xi32, #tpu.memory_space<vmem>> -> memref<40xi32, #tpu.memory_space<vmem>>
    %dma_start3A_11 = arith.constant 0 : i32
    %dma_start3A_12 = arith.constant 0 : i32
    %dma_start3A_13 = tpu.memref_slice %arg2[%dma_start3A_11, %dma_start3A_12] : memref<10000x128xf32, #tpu.memory_space<hbm>> -> memref<10000x128xf32, #tpu.memory_space<hbm>>
    tpu.enqueue_indirect_dma source(%dma_start3A_13 : memref<10000x128xf32, #tpu.memory_space<hbm>>) target(%arg16 : memref<40x128xf32, #tpu.memory_space<vmem>>) offsets(%dma_start3A_10 : memref<40xi32, #tpu.memory_space<vmem>>) semaphore(%arg21 : memref<!tpu.dma_semaphore, #tpu.memory_space<semaphore_mem>>)
    %dma_start3A_14 = arith.constant 2 : i32
    %dma_start3A_15 = arith.constant 0 : i32
    %dma_start3A_16 = tpu.memref_slice %arg10[%dma_start3A_14, %dma_start3A_15] : memref<250x40xi32, #tpu.memory_space<vmem>> -> memref<1x40xi32, #tpu.memory_space<vmem>>
    %dma_start3A_17 = tpu.memref_squeeze %dma_start3A_16 : memref<1x40xi32, #tpu.memory_space<vmem>> -> memref<40xi32, #tpu.memory_space<vmem>>
    %dma_start3A_18 = arith.constant 0 : i32
    %dma_start3A_19 = arith.constant 0 : i32
    %dma_start3A_20 = tpu.memref_slice %arg2[%dma_start3A_18, %dma_start3A_19] : memref<10000x128xf32, #tpu.memory_space<hbm>> -> memref<10000x128xf32, #tpu.memory_space<hbm>>
    tpu.enqueue_indirect_dma source(%dma_start3A_20 : memref<10000x128xf32, #tpu.memory_space<hbm>>) target(%arg17 : memref<40x128xf32, #tpu.memory_space<vmem>>) offsets(%dma_start3A_17 : memref<40xi32, #tpu.memory_space<vmem>>) semaphore(%arg22 : memref<!tpu.dma_semaphore, #tpu.memory_space<semaphore_mem>>)
    %dma_start3A_21 = arith.constant 3 : i32
    %dma_start3A_22 = arith.constant 0 : i32
    %dma_start3A_23 = tpu.memref_slice %arg10[%dma_start3A_21, %dma_start3A_22] : memref<250x40xi32, #tpu.memory_space<vmem>> -> memref<1x40xi32, #tpu.memory_space<vmem>>
    %dma_start3A_24 = tpu.memref_squeeze %dma_start3A_23 : memref<1x40xi32, #tpu.memory_space<vmem>> -> memref<40xi32, #tpu.memory_space<vmem>>
    %dma_start3A_25 = arith.constant 0 : i32
    %dma_start3A_26 = arith.constant 0 : i32
    %dma_start3A_27 = tpu.memref_slice %arg2[%dma_start3A_25, %dma_start3A_26] : memref<10000x128xf32, #tpu.memory_space<hbm>> -> memref<10000x128xf32, #tpu.memory_space<hbm>>
    tpu.enqueue_indirect_dma source(%dma_start3A_27 : memref<10000x128xf32, #tpu.memory_space<hbm>>) target(%arg18 : memref<40x128xf32, #tpu.memory_space<vmem>>) offsets(%dma_start3A_24 : memref<40xi32, #tpu.memory_space<vmem>>) semaphore(%arg23 : memref<!tpu.dma_semaphore, #tpu.memory_space<semaphore_mem>>)
    %mul3A_28 = arith.constant 625 : i32
    %mul3A_29 = arith.muli %arg1, %mul3A_28 : i32
    "tpu.region"() ({
      %run_scoped3A = tpu.sem_alloc : memref<!tpu.dma_semaphore, #tpu.memory_space<semaphore_mem>>
      %dma_start3A_53 = arith.constant 0 : i32
      %dma_start3A_54 = tpu.memref_slice %arg13[%mul3A_29, %dma_start3A_53] : memref<10000x128xf32, #tpu.memory_space<vmem_shared>> -> memref<625x128xf32, #tpu.memory_space<vmem_shared>>
      tpu.enqueue_dma source(%arg5 : memref<625x128xf32, #tpu.memory_space<hbm>>) target(%dma_start3A_54 : memref<625x128xf32, #tpu.memory_space<vmem_shared>>) target_semaphore(%run_scoped3A : memref<!tpu.dma_semaphore, #tpu.memory_space<semaphore_mem>>)
      %dma_wait3A_55 = arith.constant 0 : i32
      %dma_wait3A_56 = tpu.memref_slice %arg13[%mul3A_29, %dma_wait3A_55] : memref<10000x128xf32, #tpu.memory_space<vmem_shared>> -> memref<625x128xf32, #tpu.memory_space<vmem_shared>>
      tpu.wait_dma2 semaphore(%run_scoped3A : memref<!tpu.dma_semaphore, #tpu.memory_space<semaphore_mem>>) src(%arg5 : memref<625x128xf32, #tpu.memory_space<hbm>>) dst(%dma_wait3A_56 : memref<625x128xf32, #tpu.memory_space<vmem_shared>>)
      tpu.yield
    }) : () -> ()
    %mul3A_30 = arith.constant 625 : i32
    %mul3A_31 = arith.muli %arg1, %mul3A_30 : i32
    "tpu.region"() ({
      %run_scoped3A = tpu.sem_alloc : memref<!tpu.dma_semaphore, #tpu.memory_space<semaphore_mem>>
      %dma_start3A_53 = arith.constant 0 : i32
      %dma_start3A_54 = tpu.memref_slice %arg14[%mul3A_31, %dma_start3A_53] : memref<10000x8xf32, #tpu.memory_space<vmem_shared>> -> memref<625x8xf32, #tpu.memory_space<vmem_shared>>
      tpu.enqueue_dma source(%arg6 : memref<625x8xf32, #tpu.memory_space<hbm>>) target(%dma_start3A_54 : memref<625x8xf32, #tpu.memory_space<vmem_shared>>) target_semaphore(%run_scoped3A : memref<!tpu.dma_semaphore, #tpu.memory_space<semaphore_mem>>)
      %dma_wait3A_55 = arith.constant 0 : i32
      %dma_wait3A_56 = tpu.memref_slice %arg14[%mul3A_31, %dma_wait3A_55] : memref<10000x8xf32, #tpu.memory_space<vmem_shared>> -> memref<625x8xf32, #tpu.memory_space<vmem_shared>>
      tpu.wait_dma2 semaphore(%run_scoped3A : memref<!tpu.dma_semaphore, #tpu.memory_space<semaphore_mem>>) src(%arg6 : memref<625x8xf32, #tpu.memory_space<hbm>>) dst(%dma_wait3A_56 : memref<625x8xf32, #tpu.memory_space<vmem_shared>>)
      tpu.yield
    }) : () -> ()
    "tpu.region"() ({
      %run_scoped3A = tpu.sem_alloc : memref<!tpu.dma_semaphore, #tpu.memory_space<semaphore_mem>>
      %dma_start3A_53 = arith.constant 0 : i32
      %dma_start3A_54 = arith.constant 0 : i32
      %dma_start3A_55 = tpu.memref_slice %arg4[%add3A, %dma_start3A_53, %dma_start3A_54] : memref<32x250x40xi32, #tpu.memory_space<hbm>> -> memref<1x250x40xi32, #tpu.memory_space<hbm>>
      %dma_start3A_56 = tpu.memref_squeeze %dma_start3A_55 : memref<1x250x40xi32, #tpu.memory_space<hbm>> -> memref<250x40xi32, #tpu.memory_space<hbm>>
      %dma_start3A_57 = arith.constant 0 : i32
      %dma_start3A_58 = arith.constant 0 : i32
      %dma_start3A_59 = tpu.memref_slice %arg4[%add3A, %dma_start3A_57, %dma_start3A_58] : memref<32x250x40xi32, #tpu.memory_space<hbm>> -> memref<1x250x40xi32, #tpu.memory_space<hbm>>
      %dma_start3A_60 = tpu.memref_squeeze %dma_start3A_59 : memref<1x250x40xi32, #tpu.memory_space<hbm>> -> memref<250x40xi32, #tpu.memory_space<hbm>>
      tpu.enqueue_dma source(%dma_start3A_60 : memref<250x40xi32, #tpu.memory_space<hbm>>) target(%arg11 : memref<250x40xi32, #tpu.memory_space<vmem>>) target_semaphore(%run_scoped3A : memref<!tpu.dma_semaphore, #tpu.memory_space<semaphore_mem>>)
      %dma_wait3A_61 = arith.constant 0 : i32
      %dma_wait3A_62 = arith.constant 0 : i32
      %dma_wait3A_63 = tpu.memref_slice %arg4[%add3A, %dma_wait3A_61, %dma_wait3A_62] : memref<32x250x40xi32, #tpu.memory_space<hbm>> -> memref<1x250x40xi32, #tpu.memory_space<hbm>>
      %dma_wait3A_64 = tpu.memref_squeeze %dma_wait3A_63 : memref<1x250x40xi32, #tpu.memory_space<hbm>> -> memref<250x40xi32, #tpu.memory_space<hbm>>
      %dma_wait3A_65 = arith.constant 0 : i32
      %dma_wait3A_66 = arith.constant 0 : i32
      %dma_wait3A_67 = tpu.memref_slice %arg4[%add3A, %dma_wait3A_65, %dma_wait3A_66] : memref<32x250x40xi32, #tpu.memory_space<hbm>> -> memref<1x250x40xi32, #tpu.memory_space<hbm>>
      %dma_wait3A_68 = tpu.memref_squeeze %dma_wait3A_67 : memref<1x250x40xi32, #tpu.memory_space<hbm>> -> memref<250x40xi32, #tpu.memory_space<hbm>>
      tpu.wait_dma2 semaphore(%run_scoped3A : memref<!tpu.dma_semaphore, #tpu.memory_space<semaphore_mem>>) src(%dma_wait3A_68 : memref<250x40xi32, #tpu.memory_space<hbm>>) dst(%arg11 : memref<250x40xi32, #tpu.memory_space<vmem>>)
      tpu.yield
    }) : () -> ()
    "tpu.region"() ({
      %run_scoped3A = tpu.sem_alloc : memref<!tpu.dma_semaphore, #tpu.memory_space<semaphore_mem>>
      tpu.enqueue_dma source(%arg7 : memref<40x8xf32, #tpu.memory_space<hbm>>) target(%arg12 : memref<40x8xf32, #tpu.memory_space<vmem>>) target_semaphore(%run_scoped3A : memref<!tpu.dma_semaphore, #tpu.memory_space<semaphore_mem>>)
      tpu.wait_dma2 semaphore(%run_scoped3A : memref<!tpu.dma_semaphore, #tpu.memory_space<semaphore_mem>>) src(%arg7 : memref<40x8xf32, #tpu.memory_space<hbm>>) dst(%arg12 : memref<40x8xf32, #tpu.memory_space<vmem>>)
      tpu.yield
    }) : () -> ()
    %barrier3A = arith.constant 0 : index
    tpu.barrier barrier_id(%barrier3A)
    %scan3A = arith.constant 0 : i32
    %scan3A_32 = arith.constant 0 : i32
    %scan3A_33 = arith.constant 50 : i32
    %scan3A_34 = arith.addi %scan3A_32, %scan3A_33 : i32
    %scan3A_35 = arith.constant 1 : i32
    scf.for %scan3A_53 = %scan3A_32 to %scan3A_34 step %scan3A_35  : i32 {
      %mul3A_54 = arith.constant 5 : i32
      %mul3A_55 = arith.muli %scan3A_53, %mul3A_54 : i32
      %add3A_56 = arith.constant 0 : i32
      %add3A_57 = arith.addi %mul3A_55, %add3A_56 : i32
      %dma_wait3A_58 = arith.constant 0 : i32
      %dma_wait3A_59 = tpu.memref_slice %arg10[%add3A_57, %dma_wait3A_58] : memref<250x40xi32, #tpu.memory_space<vmem>> -> memref<1x40xi32, #tpu.memory_space<vmem>>
      %dma_wait3A_60 = tpu.memref_squeeze %dma_wait3A_59 : memref<1x40xi32, #tpu.memory_space<vmem>> -> memref<40xi32, #tpu.memory_space<vmem>>
      %dma_wait3A_61 = arith.constant 0 : i32
      %dma_wait3A_62 = arith.constant 0 : i32
      %dma_wait3A_63 = tpu.memref_slice %arg2[%dma_wait3A_61, %dma_wait3A_62] : memref<10000x128xf32, #tpu.memory_space<hbm>> -> memref<10000x128xf32, #tpu.memory_space<hbm>>
      tpu.wait_indirect_dma semaphore(%arg20 : memref<!tpu.dma_semaphore, #tpu.memory_space<semaphore_mem>>) src(%dma_wait3A_63 : memref<10000x128xf32, #tpu.memory_space<hbm>>) dst(%arg15 : memref<40x128xf32, #tpu.memory_space<vmem>>)
      %dma_start3A_64 = arith.constant 0 : i32
      %dma_start3A_65 = tpu.memref_slice %arg11[%add3A_57, %dma_start3A_64] : memref<250x40xi32, #tpu.memory_space<vmem>> -> memref<1x40xi32, #tpu.memory_space<vmem>>
      %dma_start3A_66 = tpu.memref_squeeze %dma_start3A_65 : memref<1x40xi32, #tpu.memory_space<vmem>> -> memref<40xi32, #tpu.memory_space<vmem>>
      %dma_start3A_67 = arith.constant 0 : i32
      %dma_start3A_68 = arith.constant 0 : i32
      %dma_start3A_69 = tpu.memref_slice %arg13[%dma_start3A_67, %dma_start3A_68] : memref<10000x128xf32, #tpu.memory_space<vmem_shared>> -> memref<10000x128xf32, #tpu.memory_space<vmem_shared>>
      tpu.enqueue_indirect_dma source(%arg15 : memref<40x128xf32, #tpu.memory_space<vmem>>) target(%dma_start3A_69 : memref<10000x128xf32, #tpu.memory_space<vmem_shared>>) offsets(%dma_start3A_66 : memref<40xi32, #tpu.memory_space<vmem>>) semaphore(%arg25 : memref<!tpu.dma_semaphore, #tpu.memory_space<semaphore_mem>>) {add = true}
      %dma_start3A_70 = arith.constant 0 : i32
      %dma_start3A_71 = tpu.memref_slice %arg11[%add3A_57, %dma_start3A_70] : memref<250x40xi32, #tpu.memory_space<vmem>> -> memref<1x40xi32, #tpu.memory_space<vmem>>
      %dma_start3A_72 = tpu.memref_squeeze %dma_start3A_71 : memref<1x40xi32, #tpu.memory_space<vmem>> -> memref<40xi32, #tpu.memory_space<vmem>>
      %dma_start3A_73 = arith.constant 0 : i32
      %dma_start3A_74 = arith.constant 0 : i32
      %dma_start3A_75 = tpu.memref_slice %arg14[%dma_start3A_73, %dma_start3A_74] : memref<10000x8xf32, #tpu.memory_space<vmem_shared>> -> memref<10000x8xf32, #tpu.memory_space<vmem_shared>>
      tpu.enqueue_indirect_dma source(%arg12 : memref<40x8xf32, #tpu.memory_space<vmem>>) target(%dma_start3A_75 : memref<10000x8xf32, #tpu.memory_space<vmem_shared>>) offsets(%dma_start3A_72 : memref<40xi32, #tpu.memory_space<vmem>>) semaphore(%arg30 : memref<!tpu.dma_semaphore, #tpu.memory_space<semaphore_mem>>) {add = true}
      %gt3A = arith.constant 0 : i32
      %gt3A_76 = arith.cmpi sgt, %add3A_57, %gt3A : i32
      %convert_element_type3A = arith.extui %gt3A_76 : i1 to i32
      %cond3A = arith.constant 0 : i32
      %cond3A_77 = arith.cmpi ne, %convert_element_type3A, %cond3A : i32
      scf.if %cond3A_77 {
        %dma_wait3A_229 = arith.constant 0 : i32
        %dma_wait3A_230 = tpu.memref_slice %arg11[%add3A_57, %dma_wait3A_229] : memref<250x40xi32, #tpu.memory_space<vmem>> -> memref<1x40xi32, #tpu.memory_space<vmem>>
        %dma_wait3A_231 = tpu.memref_squeeze %dma_wait3A_230 : memref<1x40xi32, #tpu.memory_space<vmem>> -> memref<40xi32, #tpu.memory_space<vmem>>
        %dma_wait3A_232 = arith.constant 0 : i32
        %dma_wait3A_233 = arith.constant 0 : i32
        %dma_wait3A_234 = tpu.memref_slice %arg13[%dma_wait3A_232, %dma_wait3A_233] : memref<10000x128xf32, #tpu.memory_space<vmem_shared>> -> memref<10000x128xf32, #tpu.memory_space<vmem_shared>>
        tpu.wait_indirect_dma semaphore(%arg29 : memref<!tpu.dma_semaphore, #tpu.memory_space<semaphore_mem>>) src(%arg19 : memref<40x128xf32, #tpu.memory_space<vmem>>) dst(%dma_wait3A_234 : memref<10000x128xf32, #tpu.memory_space<vmem_shared>>)
        %dma_wait3A_235 = arith.constant 0 : i32
        %dma_wait3A_236 = tpu.memref_slice %arg11[%add3A_57, %dma_wait3A_235] : memref<250x40xi32, #tpu.memory_space<vmem>> -> memref<1x40xi32, #tpu.memory_space<vmem>>
        %dma_wait3A_237 = tpu.memref_squeeze %dma_wait3A_236 : memref<1x40xi32, #tpu.memory_space<vmem>> -> memref<40xi32, #tpu.memory_space<vmem>>
        %dma_wait3A_238 = arith.constant 0 : i32
        %dma_wait3A_239 = arith.constant 0 : i32
        %dma_wait3A_240 = tpu.memref_slice %arg14[%dma_wait3A_238, %dma_wait3A_239] : memref<10000x8xf32, #tpu.memory_space<vmem_shared>> -> memref<10000x8xf32, #tpu.memory_space<vmem_shared>>
        tpu.wait_indirect_dma semaphore(%arg34 : memref<!tpu.dma_semaphore, #tpu.memory_space<semaphore_mem>>) src(%arg12 : memref<40x8xf32, #tpu.memory_space<vmem>>) dst(%dma_wait3A_240 : memref<10000x8xf32, #tpu.memory_space<vmem_shared>>)
      } else {
      }
      %add3A_78 = arith.constant 5 : i32
      %add3A_79 = arith.addi %add3A_57, %add3A_78 : i32
      %sub3A = arith.constant 1 : i32
      %sub3A_80 = arith.subi %add3A_79, %sub3A : i32
      %lt3A = arith.constant 250 : i32
      %lt3A_81 = arith.cmpi slt, %sub3A_80, %lt3A : i32
      %convert_element_type3A_82 = arith.extui %lt3A_81 : i1 to i32
      %cond3A_83 = arith.constant 0 : i32
      %cond3A_84 = arith.cmpi ne, %convert_element_type3A_82, %cond3A_83 : i32
      scf.if %cond3A_84 {
        %add3A_229 = arith.constant 5 : i32
        %add3A_230 = arith.addi %add3A_57, %add3A_229 : i32
        %sub3A_231 = arith.constant 1 : i32
        %sub3A_232 = arith.subi %add3A_230, %sub3A_231 : i32
        %dma_start3A_233 = arith.constant 0 : i32
        %dma_start3A_234 = tpu.memref_slice %arg10[%sub3A_232, %dma_start3A_233] : memref<250x40xi32, #tpu.memory_space<vmem>> -> memref<1x40xi32, #tpu.memory_space<vmem>>
        %dma_start3A_235 = tpu.memref_squeeze %dma_start3A_234 : memref<1x40xi32, #tpu.memory_space<vmem>> -> memref<40xi32, #tpu.memory_space<vmem>>
        %dma_start3A_236 = arith.constant 0 : i32
        %dma_start3A_237 = arith.constant 0 : i32
        %dma_start3A_238 = tpu.memref_slice %arg2[%dma_start3A_236, %dma_start3A_237] : memref<10000x128xf32, #tpu.memory_space<hbm>> -> memref<10000x128xf32, #tpu.memory_space<hbm>>
        tpu.enqueue_indirect_dma source(%dma_start3A_238 : memref<10000x128xf32, #tpu.memory_space<hbm>>) target(%arg19 : memref<40x128xf32, #tpu.memory_space<vmem>>) offsets(%dma_start3A_235 : memref<40xi32, #tpu.memory_space<vmem>>) semaphore(%arg24 : memref<!tpu.dma_semaphore, #tpu.memory_space<semaphore_mem>>)
      } else {
      }
      %mul3A_85 = arith.constant 5 : i32
      %mul3A_86 = arith.muli %scan3A_53, %mul3A_85 : i32
      %add3A_87 = arith.constant 1 : i32
      %add3A_88 = arith.addi %mul3A_86, %add3A_87 : i32
      %dma_wait3A_89 = arith.constant 0 : i32
      %dma_wait3A_90 = tpu.memref_slice %arg10[%add3A_88, %dma_wait3A_89] : memref<250x40xi32, #tpu.memory_space<vmem>> -> memref<1x40xi32, #tpu.memory_space<vmem>>
      %dma_wait3A_91 = tpu.memref_squeeze %dma_wait3A_90 : memref<1x40xi32, #tpu.memory_space<vmem>> -> memref<40xi32, #tpu.memory_space<vmem>>
      %dma_wait3A_92 = arith.constant 0 : i32
      %dma_wait3A_93 = arith.constant 0 : i32
      %dma_wait3A_94 = tpu.memref_slice %arg2[%dma_wait3A_92, %dma_wait3A_93] : memref<10000x128xf32, #tpu.memory_space<hbm>> -> memref<10000x128xf32, #tpu.memory_space<hbm>>
      tpu.wait_indirect_dma semaphore(%arg21 : memref<!tpu.dma_semaphore, #tpu.memory_space<semaphore_mem>>) src(%dma_wait3A_94 : memref<10000x128xf32, #tpu.memory_space<hbm>>) dst(%arg16 : memref<40x128xf32, #tpu.memory_space<vmem>>)
      %dma_start3A_95 = arith.constant 0 : i32
      %dma_start3A_96 = tpu.memref_slice %arg11[%add3A_88, %dma_start3A_95] : memref<250x40xi32, #tpu.memory_space<vmem>> -> memref<1x40xi32, #tpu.memory_space<vmem>>
      %dma_start3A_97 = tpu.memref_squeeze %dma_start3A_96 : memref<1x40xi32, #tpu.memory_space<vmem>> -> memref<40xi32, #tpu.memory_space<vmem>>
      %dma_start3A_98 = arith.constant 0 : i32
      %dma_start3A_99 = arith.constant 0 : i32
      %dma_start3A_100 = tpu.memref_slice %arg13[%dma_start3A_98, %dma_start3A_99] : memref<10000x128xf32, #tpu.memory_space<vmem_shared>> -> memref<10000x128xf32, #tpu.memory_space<vmem_shared>>
      tpu.enqueue_indirect_dma source(%arg16 : memref<40x128xf32, #tpu.memory_space<vmem>>) target(%dma_start3A_100 : memref<10000x128xf32, #tpu.memory_space<vmem_shared>>) offsets(%dma_start3A_97 : memref<40xi32, #tpu.memory_space<vmem>>) semaphore(%arg26 : memref<!tpu.dma_semaphore, #tpu.memory_space<semaphore_mem>>) {add = true}
      %dma_start3A_101 = arith.constant 0 : i32
      %dma_start3A_102 = tpu.memref_slice %arg11[%add3A_88, %dma_start3A_101] : memref<250x40xi32, #tpu.memory_space<vmem>> -> memref<1x40xi32, #tpu.memory_space<vmem>>
      %dma_start3A_103 = tpu.memref_squeeze %dma_start3A_102 : memref<1x40xi32, #tpu.memory_space<vmem>> -> memref<40xi32, #tpu.memory_space<vmem>>
      %dma_start3A_104 = arith.constant 0 : i32
      %dma_start3A_105 = arith.constant 0 : i32
      %dma_start3A_106 = tpu.memref_slice %arg14[%dma_start3A_104, %dma_start3A_105] : memref<10000x8xf32, #tpu.memory_space<vmem_shared>> -> memref<10000x8xf32, #tpu.memory_space<vmem_shared>>
      tpu.enqueue_indirect_dma source(%arg12 : memref<40x8xf32, #tpu.memory_space<vmem>>) target(%dma_start3A_106 : memref<10000x8xf32, #tpu.memory_space<vmem_shared>>) offsets(%dma_start3A_103 : memref<40xi32, #tpu.memory_space<vmem>>) semaphore(%arg31 : memref<!tpu.dma_semaphore, #tpu.memory_space<semaphore_mem>>) {add = true}
      %gt3A_107 = arith.constant 0 : i32
      %gt3A_108 = arith.cmpi sgt, %add3A_88, %gt3A_107 : i32
      %convert_element_type3A_109 = arith.extui %gt3A_108 : i1 to i32
      %cond3A_110 = arith.constant 0 : i32
      %cond3A_111 = arith.cmpi ne, %convert_element_type3A_109, %cond3A_110 : i32
      scf.if %cond3A_111 {
        %dma_wait3A_229 = arith.constant 0 : i32
        %dma_wait3A_230 = tpu.memref_slice %arg11[%add3A_88, %dma_wait3A_229] : memref<250x40xi32, #tpu.memory_space<vmem>> -> memref<1x40xi32, #tpu.memory_space<vmem>>
        %dma_wait3A_231 = tpu.memref_squeeze %dma_wait3A_230 : memref<1x40xi32, #tpu.memory_space<vmem>> -> memref<40xi32, #tpu.memory_space<vmem>>
        %dma_wait3A_232 = arith.constant 0 : i32
        %dma_wait3A_233 = arith.constant 0 : i32
        %dma_wait3A_234 = tpu.memref_slice %arg13[%dma_wait3A_232, %dma_wait3A_233] : memref<10000x128xf32, #tpu.memory_space<vmem_shared>> -> memref<10000x128xf32, #tpu.memory_space<vmem_shared>>
        tpu.wait_indirect_dma semaphore(%arg25 : memref<!tpu.dma_semaphore, #tpu.memory_space<semaphore_mem>>) src(%arg15 : memref<40x128xf32, #tpu.memory_space<vmem>>) dst(%dma_wait3A_234 : memref<10000x128xf32, #tpu.memory_space<vmem_shared>>)
        %dma_wait3A_235 = arith.constant 0 : i32
        %dma_wait3A_236 = tpu.memref_slice %arg11[%add3A_88, %dma_wait3A_235] : memref<250x40xi32, #tpu.memory_space<vmem>> -> memref<1x40xi32, #tpu.memory_space<vmem>>
        %dma_wait3A_237 = tpu.memref_squeeze %dma_wait3A_236 : memref<1x40xi32, #tpu.memory_space<vmem>> -> memref<40xi32, #tpu.memory_space<vmem>>
        %dma_wait3A_238 = arith.constant 0 : i32
        %dma_wait3A_239 = arith.constant 0 : i32
        %dma_wait3A_240 = tpu.memref_slice %arg14[%dma_wait3A_238, %dma_wait3A_239] : memref<10000x8xf32, #tpu.memory_space<vmem_shared>> -> memref<10000x8xf32, #tpu.memory_space<vmem_shared>>
        tpu.wait_indirect_dma semaphore(%arg30 : memref<!tpu.dma_semaphore, #tpu.memory_space<semaphore_mem>>) src(%arg12 : memref<40x8xf32, #tpu.memory_space<vmem>>) dst(%dma_wait3A_240 : memref<10000x8xf32, #tpu.memory_space<vmem_shared>>)
      } else {
      }
      %add3A_112 = arith.constant 5 : i32
      %add3A_113 = arith.addi %add3A_88, %add3A_112 : i32
      %sub3A_114 = arith.constant 1 : i32
      %sub3A_115 = arith.subi %add3A_113, %sub3A_114 : i32
      %lt3A_116 = arith.constant 250 : i32
      %lt3A_117 = arith.cmpi slt, %sub3A_115, %lt3A_116 : i32
      %convert_element_type3A_118 = arith.extui %lt3A_117 : i1 to i32
      %cond3A_119 = arith.constant 0 : i32
      %cond3A_120 = arith.cmpi ne, %convert_element_type3A_118, %cond3A_119 : i32
      scf.if %cond3A_120 {
        %add3A_229 = arith.constant 5 : i32
        %add3A_230 = arith.addi %add3A_88, %add3A_229 : i32
        %sub3A_231 = arith.constant 1 : i32
        %sub3A_232 = arith.subi %add3A_230, %sub3A_231 : i32
        %dma_start3A_233 = arith.constant 0 : i32
        %dma_start3A_234 = tpu.memref_slice %arg10[%sub3A_232, %dma_start3A_233] : memref<250x40xi32, #tpu.memory_space<vmem>> -> memref<1x40xi32, #tpu.memory_space<vmem>>
        %dma_start3A_235 = tpu.memref_squeeze %dma_start3A_234 : memref<1x40xi32, #tpu.memory_space<vmem>> -> memref<40xi32, #tpu.memory_space<vmem>>
        %dma_start3A_236 = arith.constant 0 : i32
        %dma_start3A_237 = arith.constant 0 : i32
        %dma_start3A_238 = tpu.memref_slice %arg2[%dma_start3A_236, %dma_start3A_237] : memref<10000x128xf32, #tpu.memory_space<hbm>> -> memref<10000x128xf32, #tpu.memory_space<hbm>>
        tpu.enqueue_indirect_dma source(%dma_start3A_238 : memref<10000x128xf32, #tpu.memory_space<hbm>>) target(%arg15 : memref<40x128xf32, #tpu.memory_space<vmem>>) offsets(%dma_start3A_235 : memref<40xi32, #tpu.memory_space<vmem>>) semaphore(%arg20 : memref<!tpu.dma_semaphore, #tpu.memory_space<semaphore_mem>>)
      } else {
      }
      %mul3A_121 = arith.constant 5 : i32
      %mul3A_122 = arith.muli %scan3A_53, %mul3A_121 : i32
      %add3A_123 = arith.constant 2 : i32
      %add3A_124 = arith.addi %mul3A_122, %add3A_123 : i32
      %dma_wait3A_125 = arith.constant 0 : i32
      %dma_wait3A_126 = tpu.memref_slice %arg10[%add3A_124, %dma_wait3A_125] : memref<250x40xi32, #tpu.memory_space<vmem>> -> memref<1x40xi32, #tpu.memory_space<vmem>>
      %dma_wait3A_127 = tpu.memref_squeeze %dma_wait3A_126 : memref<1x40xi32, #tpu.memory_space<vmem>> -> memref<40xi32, #tpu.memory_space<vmem>>
      %dma_wait3A_128 = arith.constant 0 : i32
      %dma_wait3A_129 = arith.constant 0 : i32
      %dma_wait3A_130 = tpu.memref_slice %arg2[%dma_wait3A_128, %dma_wait3A_129] : memref<10000x128xf32, #tpu.memory_space<hbm>> -> memref<10000x128xf32, #tpu.memory_space<hbm>>
      tpu.wait_indirect_dma semaphore(%arg22 : memref<!tpu.dma_semaphore, #tpu.memory_space<semaphore_mem>>) src(%dma_wait3A_130 : memref<10000x128xf32, #tpu.memory_space<hbm>>) dst(%arg17 : memref<40x128xf32, #tpu.memory_space<vmem>>)
      %dma_start3A_131 = arith.constant 0 : i32
      %dma_start3A_132 = tpu.memref_slice %arg11[%add3A_124, %dma_start3A_131] : memref<250x40xi32, #tpu.memory_space<vmem>> -> memref<1x40xi32, #tpu.memory_space<vmem>>
      %dma_start3A_133 = tpu.memref_squeeze %dma_start3A_132 : memref<1x40xi32, #tpu.memory_space<vmem>> -> memref<40xi32, #tpu.memory_space<vmem>>
      %dma_start3A_134 = arith.constant 0 : i32
      %dma_start3A_135 = arith.constant 0 : i32
      %dma_start3A_136 = tpu.memref_slice %arg13[%dma_start3A_134, %dma_start3A_135] : memref<10000x128xf32, #tpu.memory_space<vmem_shared>> -> memref<10000x128xf32, #tpu.memory_space<vmem_shared>>
      tpu.enqueue_indirect_dma source(%arg17 : memref<40x128xf32, #tpu.memory_space<vmem>>) target(%dma_start3A_136 : memref<10000x128xf32, #tpu.memory_space<vmem_shared>>) offsets(%dma_start3A_133 : memref<40xi32, #tpu.memory_space<vmem>>) semaphore(%arg27 : memref<!tpu.dma_semaphore, #tpu.memory_space<semaphore_mem>>) {add = true}
      %dma_start3A_137 = arith.constant 0 : i32
      %dma_start3A_138 = tpu.memref_slice %arg11[%add3A_124, %dma_start3A_137] : memref<250x40xi32, #tpu.memory_space<vmem>> -> memref<1x40xi32, #tpu.memory_space<vmem>>
      %dma_start3A_139 = tpu.memref_squeeze %dma_start3A_138 : memref<1x40xi32, #tpu.memory_space<vmem>> -> memref<40xi32, #tpu.memory_space<vmem>>
      %dma_start3A_140 = arith.constant 0 : i32
      %dma_start3A_141 = arith.constant 0 : i32
      %dma_start3A_142 = tpu.memref_slice %arg14[%dma_start3A_140, %dma_start3A_141] : memref<10000x8xf32, #tpu.memory_space<vmem_shared>> -> memref<10000x8xf32, #tpu.memory_space<vmem_shared>>
      tpu.enqueue_indirect_dma source(%arg12 : memref<40x8xf32, #tpu.memory_space<vmem>>) target(%dma_start3A_142 : memref<10000x8xf32, #tpu.memory_space<vmem_shared>>) offsets(%dma_start3A_139 : memref<40xi32, #tpu.memory_space<vmem>>) semaphore(%arg32 : memref<!tpu.dma_semaphore, #tpu.memory_space<semaphore_mem>>) {add = true}
      %gt3A_143 = arith.constant 0 : i32
      %gt3A_144 = arith.cmpi sgt, %add3A_124, %gt3A_143 : i32
      %convert_element_type3A_145 = arith.extui %gt3A_144 : i1 to i32
      %cond3A_146 = arith.constant 0 : i32
      %cond3A_147 = arith.cmpi ne, %convert_element_type3A_145, %cond3A_146 : i32
      scf.if %cond3A_147 {
        %dma_wait3A_229 = arith.constant 0 : i32
        %dma_wait3A_230 = tpu.memref_slice %arg11[%add3A_124, %dma_wait3A_229] : memref<250x40xi32, #tpu.memory_space<vmem>> -> memref<1x40xi32, #tpu.memory_space<vmem>>
        %dma_wait3A_231 = tpu.memref_squeeze %dma_wait3A_230 : memref<1x40xi32, #tpu.memory_space<vmem>> -> memref<40xi32, #tpu.memory_space<vmem>>
        %dma_wait3A_232 = arith.constant 0 : i32
        %dma_wait3A_233 = arith.constant 0 : i32
        %dma_wait3A_234 = tpu.memref_slice %arg13[%dma_wait3A_232, %dma_wait3A_233] : memref<10000x128xf32, #tpu.memory_space<vmem_shared>> -> memref<10000x128xf32, #tpu.memory_space<vmem_shared>>
        tpu.wait_indirect_dma semaphore(%arg26 : memref<!tpu.dma_semaphore, #tpu.memory_space<semaphore_mem>>) src(%arg16 : memref<40x128xf32, #tpu.memory_space<vmem>>) dst(%dma_wait3A_234 : memref<10000x128xf32, #tpu.memory_space<vmem_shared>>)
        %dma_wait3A_235 = arith.constant 0 : i32
        %dma_wait3A_236 = tpu.memref_slice %arg11[%add3A_124, %dma_wait3A_235] : memref<250x40xi32, #tpu.memory_space<vmem>> -> memref<1x40xi32, #tpu.memory_space<vmem>>
        %dma_wait3A_237 = tpu.memref_squeeze %dma_wait3A_236 : memref<1x40xi32, #tpu.memory_space<vmem>> -> memref<40xi32, #tpu.memory_space<vmem>>
        %dma_wait3A_238 = arith.constant 0 : i32
        %dma_wait3A_239 = arith.constant 0 : i32
        %dma_wait3A_240 = tpu.memref_slice %arg14[%dma_wait3A_238, %dma_wait3A_239] : memref<10000x8xf32, #tpu.memory_space<vmem_shared>> -> memref<10000x8xf32, #tpu.memory_space<vmem_shared>>
        tpu.wait_indirect_dma semaphore(%arg31 : memref<!tpu.dma_semaphore, #tpu.memory_space<semaphore_mem>>) src(%arg12 : memref<40x8xf32, #tpu.memory_space<vmem>>) dst(%dma_wait3A_240 : memref<10000x8xf32, #tpu.memory_space<vmem_shared>>)
      } else {
      }
      %add3A_148 = arith.constant 5 : i32
      %add3A_149 = arith.addi %add3A_124, %add3A_148 : i32
      %sub3A_150 = arith.constant 1 : i32
      %sub3A_151 = arith.subi %add3A_149, %sub3A_150 : i32
      %lt3A_152 = arith.constant 250 : i32
      %lt3A_153 = arith.cmpi slt, %sub3A_151, %lt3A_152 : i32
      %convert_element_type3A_154 = arith.extui %lt3A_153 : i1 to i32
      %cond3A_155 = arith.constant 0 : i32
      %cond3A_156 = arith.cmpi ne, %convert_element_type3A_154, %cond3A_155 : i32
      scf.if %cond3A_156 {
        %add3A_229 = arith.constant 5 : i32
        %add3A_230 = arith.addi %add3A_124, %add3A_229 : i32
        %sub3A_231 = arith.constant 1 : i32
        %sub3A_232 = arith.subi %add3A_230, %sub3A_231 : i32
        %dma_start3A_233 = arith.constant 0 : i32
        %dma_start3A_234 = tpu.memref_slice %arg10[%sub3A_232, %dma_start3A_233] : memref<250x40xi32, #tpu.memory_space<vmem>> -> memref<1x40xi32, #tpu.memory_space<vmem>>
        %dma_start3A_235 = tpu.memref_squeeze %dma_start3A_234 : memref<1x40xi32, #tpu.memory_space<vmem>> -> memref<40xi32, #tpu.memory_space<vmem>>
        %dma_start3A_236 = arith.constant 0 : i32
        %dma_start3A_237 = arith.constant 0 : i32
        %dma_start3A_238 = tpu.memref_slice %arg2[%dma_start3A_236, %dma_start3A_237] : memref<10000x128xf32, #tpu.memory_space<hbm>> -> memref<10000x128xf32, #tpu.memory_space<hbm>>
        tpu.enqueue_indirect_dma source(%dma_start3A_238 : memref<10000x128xf32, #tpu.memory_space<hbm>>) target(%arg16 : memref<40x128xf32, #tpu.memory_space<vmem>>) offsets(%dma_start3A_235 : memref<40xi32, #tpu.memory_space<vmem>>) semaphore(%arg21 : memref<!tpu.dma_semaphore, #tpu.memory_space<semaphore_mem>>)
      } else {
      }
      %mul3A_157 = arith.constant 5 : i32
      %mul3A_158 = arith.muli %scan3A_53, %mul3A_157 : i32
      %add3A_159 = arith.constant 3 : i32
      %add3A_160 = arith.addi %mul3A_158, %add3A_159 : i32
      %dma_wait3A_161 = arith.constant 0 : i32
      %dma_wait3A_162 = tpu.memref_slice %arg10[%add3A_160, %dma_wait3A_161] : memref<250x40xi32, #tpu.memory_space<vmem>> -> memref<1x40xi32, #tpu.memory_space<vmem>>
      %dma_wait3A_163 = tpu.memref_squeeze %dma_wait3A_162 : memref<1x40xi32, #tpu.memory_space<vmem>> -> memref<40xi32, #tpu.memory_space<vmem>>
      %dma_wait3A_164 = arith.constant 0 : i32
      %dma_wait3A_165 = arith.constant 0 : i32
      %dma_wait3A_166 = tpu.memref_slice %arg2[%dma_wait3A_164, %dma_wait3A_165] : memref<10000x128xf32, #tpu.memory_space<hbm>> -> memref<10000x128xf32, #tpu.memory_space<hbm>>
      tpu.wait_indirect_dma semaphore(%arg23 : memref<!tpu.dma_semaphore, #tpu.memory_space<semaphore_mem>>) src(%dma_wait3A_166 : memref<10000x128xf32, #tpu.memory_space<hbm>>) dst(%arg18 : memref<40x128xf32, #tpu.memory_space<vmem>>)
      %dma_start3A_167 = arith.constant 0 : i32
      %dma_start3A_168 = tpu.memref_slice %arg11[%add3A_160, %dma_start3A_167] : memref<250x40xi32, #tpu.memory_space<vmem>> -> memref<1x40xi32, #tpu.memory_space<vmem>>
      %dma_start3A_169 = tpu.memref_squeeze %dma_start3A_168 : memref<1x40xi32, #tpu.memory_space<vmem>> -> memref<40xi32, #tpu.memory_space<vmem>>
      %dma_start3A_170 = arith.constant 0 : i32
      %dma_start3A_171 = arith.constant 0 : i32
      %dma_start3A_172 = tpu.memref_slice %arg13[%dma_start3A_170, %dma_start3A_171] : memref<10000x128xf32, #tpu.memory_space<vmem_shared>> -> memref<10000x128xf32, #tpu.memory_space<vmem_shared>>
      tpu.enqueue_indirect_dma source(%arg18 : memref<40x128xf32, #tpu.memory_space<vmem>>) target(%dma_start3A_172 : memref<10000x128xf32, #tpu.memory_space<vmem_shared>>) offsets(%dma_start3A_169 : memref<40xi32, #tpu.memory_space<vmem>>) semaphore(%arg28 : memref<!tpu.dma_semaphore, #tpu.memory_space<semaphore_mem>>) {add = true}
      %dma_start3A_173 = arith.constant 0 : i32
      %dma_start3A_174 = tpu.memref_slice %arg11[%add3A_160, %dma_start3A_173] : memref<250x40xi32, #tpu.memory_space<vmem>> -> memref<1x40xi32, #tpu.memory_space<vmem>>
      %dma_start3A_175 = tpu.memref_squeeze %dma_start3A_174 : memref<1x40xi32, #tpu.memory_space<vmem>> -> memref<40xi32, #tpu.memory_space<vmem>>
      %dma_start3A_176 = arith.constant 0 : i32
      %dma_start3A_177 = arith.constant 0 : i32
      %dma_start3A_178 = tpu.memref_slice %arg14[%dma_start3A_176, %dma_start3A_177] : memref<10000x8xf32, #tpu.memory_space<vmem_shared>> -> memref<10000x8xf32, #tpu.memory_space<vmem_shared>>
      tpu.enqueue_indirect_dma source(%arg12 : memref<40x8xf32, #tpu.memory_space<vmem>>) target(%dma_start3A_178 : memref<10000x8xf32, #tpu.memory_space<vmem_shared>>) offsets(%dma_start3A_175 : memref<40xi32, #tpu.memory_space<vmem>>) semaphore(%arg33 : memref<!tpu.dma_semaphore, #tpu.memory_space<semaphore_mem>>) {add = true}
      %gt3A_179 = arith.constant 0 : i32
      %gt3A_180 = arith.cmpi sgt, %add3A_160, %gt3A_179 : i32
      %convert_element_type3A_181 = arith.extui %gt3A_180 : i1 to i32
      %cond3A_182 = arith.constant 0 : i32
      %cond3A_183 = arith.cmpi ne, %convert_element_type3A_181, %cond3A_182 : i32
      scf.if %cond3A_183 {
        %dma_wait3A_229 = arith.constant 0 : i32
        %dma_wait3A_230 = tpu.memref_slice %arg11[%add3A_160, %dma_wait3A_229] : memref<250x40xi32, #tpu.memory_space<vmem>> -> memref<1x40xi32, #tpu.memory_space<vmem>>
        %dma_wait3A_231 = tpu.memref_squeeze %dma_wait3A_230 : memref<1x40xi32, #tpu.memory_space<vmem>> -> memref<40xi32, #tpu.memory_space<vmem>>
        %dma_wait3A_232 = arith.constant 0 : i32
        %dma_wait3A_233 = arith.constant 0 : i32
        %dma_wait3A_234 = tpu.memref_slice %arg13[%dma_wait3A_232, %dma_wait3A_233] : memref<10000x128xf32, #tpu.memory_space<vmem_shared>> -> memref<10000x128xf32, #tpu.memory_space<vmem_shared>>
        tpu.wait_indirect_dma semaphore(%arg27 : memref<!tpu.dma_semaphore, #tpu.memory_space<semaphore_mem>>) src(%arg17 : memref<40x128xf32, #tpu.memory_space<vmem>>) dst(%dma_wait3A_234 : memref<10000x128xf32, #tpu.memory_space<vmem_shared>>)
        %dma_wait3A_235 = arith.constant 0 : i32
        %dma_wait3A_236 = tpu.memref_slice %arg11[%add3A_160, %dma_wait3A_235] : memref<250x40xi32, #tpu.memory_space<vmem>> -> memref<1x40xi32, #tpu.memory_space<vmem>>
        %dma_wait3A_237 = tpu.memref_squeeze %dma_wait3A_236 : memref<1x40xi32, #tpu.memory_space<vmem>> -> memref<40xi32, #tpu.memory_space<vmem>>
        %dma_wait3A_238 = arith.constant 0 : i32
        %dma_wait3A_239 = arith.constant 0 : i32
        %dma_wait3A_240 = tpu.memref_slice %arg14[%dma_wait3A_238, %dma_wait3A_239] : memref<10000x8xf32, #tpu.memory_space<vmem_shared>> -> memref<10000x8xf32, #tpu.memory_space<vmem_shared>>
        tpu.wait_indirect_dma semaphore(%arg32 : memref<!tpu.dma_semaphore, #tpu.memory_space<semaphore_mem>>) src(%arg12 : memref<40x8xf32, #tpu.memory_space<vmem>>) dst(%dma_wait3A_240 : memref<10000x8xf32, #tpu.memory_space<vmem_shared>>)
      } else {
      }
      %add3A_184 = arith.constant 5 : i32
      %add3A_185 = arith.addi %add3A_160, %add3A_184 : i32
      %sub3A_186 = arith.constant 1 : i32
      %sub3A_187 = arith.subi %add3A_185, %sub3A_186 : i32
      %lt3A_188 = arith.constant 250 : i32
      %lt3A_189 = arith.cmpi slt, %sub3A_187, %lt3A_188 : i32
      %convert_element_type3A_190 = arith.extui %lt3A_189 : i1 to i32
      %cond3A_191 = arith.constant 0 : i32
      %cond3A_192 = arith.cmpi ne, %convert_element_type3A_190, %cond3A_191 : i32
      scf.if %cond3A_192 {
        %add3A_229 = arith.constant 5 : i32
        %add3A_230 = arith.addi %add3A_160, %add3A_229 : i32
        %sub3A_231 = arith.constant 1 : i32
        %sub3A_232 = arith.subi %add3A_230, %sub3A_231 : i32
        %dma_start3A_233 = arith.constant 0 : i32
        %dma_start3A_234 = tpu.memref_slice %arg10[%sub3A_232, %dma_start3A_233] : memref<250x40xi32, #tpu.memory_space<vmem>> -> memref<1x40xi32, #tpu.memory_space<vmem>>
        %dma_start3A_235 = tpu.memref_squeeze %dma_start3A_234 : memref<1x40xi32, #tpu.memory_space<vmem>> -> memref<40xi32, #tpu.memory_space<vmem>>
        %dma_start3A_236 = arith.constant 0 : i32
        %dma_start3A_237 = arith.constant 0 : i32
        %dma_start3A_238 = tpu.memref_slice %arg2[%dma_start3A_236, %dma_start3A_237] : memref<10000x128xf32, #tpu.memory_space<hbm>> -> memref<10000x128xf32, #tpu.memory_space<hbm>>
        tpu.enqueue_indirect_dma source(%dma_start3A_238 : memref<10000x128xf32, #tpu.memory_space<hbm>>) target(%arg17 : memref<40x128xf32, #tpu.memory_space<vmem>>) offsets(%dma_start3A_235 : memref<40xi32, #tpu.memory_space<vmem>>) semaphore(%arg22 : memref<!tpu.dma_semaphore, #tpu.memory_space<semaphore_mem>>)
      } else {
      }
      %mul3A_193 = arith.constant 5 : i32
      %mul3A_194 = arith.muli %scan3A_53, %mul3A_193 : i32
      %add3A_195 = arith.constant 4 : i32
      %add3A_196 = arith.addi %mul3A_194, %add3A_195 : i32
      %dma_wait3A_197 = arith.constant 0 : i32
      %dma_wait3A_198 = tpu.memref_slice %arg10[%add3A_196, %dma_wait3A_197] : memref<250x40xi32, #tpu.memory_space<vmem>> -> memref<1x40xi32, #tpu.memory_space<vmem>>
      %dma_wait3A_199 = tpu.memref_squeeze %dma_wait3A_198 : memref<1x40xi32, #tpu.memory_space<vmem>> -> memref<40xi32, #tpu.memory_space<vmem>>
      %dma_wait3A_200 = arith.constant 0 : i32
      %dma_wait3A_201 = arith.constant 0 : i32
      %dma_wait3A_202 = tpu.memref_slice %arg2[%dma_wait3A_200, %dma_wait3A_201] : memref<10000x128xf32, #tpu.memory_space<hbm>> -> memref<10000x128xf32, #tpu.memory_space<hbm>>
      tpu.wait_indirect_dma semaphore(%arg24 : memref<!tpu.dma_semaphore, #tpu.memory_space<semaphore_mem>>) src(%dma_wait3A_202 : memref<10000x128xf32, #tpu.memory_space<hbm>>) dst(%arg19 : memref<40x128xf32, #tpu.memory_space<vmem>>)
      %dma_start3A_203 = arith.constant 0 : i32
      %dma_start3A_204 = tpu.memref_slice %arg11[%add3A_196, %dma_start3A_203] : memref<250x40xi32, #tpu.memory_space<vmem>> -> memref<1x40xi32, #tpu.memory_space<vmem>>
      %dma_start3A_205 = tpu.memref_squeeze %dma_start3A_204 : memref<1x40xi32, #tpu.memory_space<vmem>> -> memref<40xi32, #tpu.memory_space<vmem>>
      %dma_start3A_206 = arith.constant 0 : i32
      %dma_start3A_207 = arith.constant 0 : i32
      %dma_start3A_208 = tpu.memref_slice %arg13[%dma_start3A_206, %dma_start3A_207] : memref<10000x128xf32, #tpu.memory_space<vmem_shared>> -> memref<10000x128xf32, #tpu.memory_space<vmem_shared>>
      tpu.enqueue_indirect_dma source(%arg19 : memref<40x128xf32, #tpu.memory_space<vmem>>) target(%dma_start3A_208 : memref<10000x128xf32, #tpu.memory_space<vmem_shared>>) offsets(%dma_start3A_205 : memref<40xi32, #tpu.memory_space<vmem>>) semaphore(%arg29 : memref<!tpu.dma_semaphore, #tpu.memory_space<semaphore_mem>>) {add = true}
      %dma_start3A_209 = arith.constant 0 : i32
      %dma_start3A_210 = tpu.memref_slice %arg11[%add3A_196, %dma_start3A_209] : memref<250x40xi32, #tpu.memory_space<vmem>> -> memref<1x40xi32, #tpu.memory_space<vmem>>
      %dma_start3A_211 = tpu.memref_squeeze %dma_start3A_210 : memref<1x40xi32, #tpu.memory_space<vmem>> -> memref<40xi32, #tpu.memory_space<vmem>>
      %dma_start3A_212 = arith.constant 0 : i32
      %dma_start3A_213 = arith.constant 0 : i32
      %dma_start3A_214 = tpu.memref_slice %arg14[%dma_start3A_212, %dma_start3A_213] : memref<10000x8xf32, #tpu.memory_space<vmem_shared>> -> memref<10000x8xf32, #tpu.memory_space<vmem_shared>>
      tpu.enqueue_indirect_dma source(%arg12 : memref<40x8xf32, #tpu.memory_space<vmem>>) target(%dma_start3A_214 : memref<10000x8xf32, #tpu.memory_space<vmem_shared>>) offsets(%dma_start3A_211 : memref<40xi32, #tpu.memory_space<vmem>>) semaphore(%arg34 : memref<!tpu.dma_semaphore, #tpu.memory_space<semaphore_mem>>) {add = true}
      %gt3A_215 = arith.constant 0 : i32
      %gt3A_216 = arith.cmpi sgt, %add3A_196, %gt3A_215 : i32
      %convert_element_type3A_217 = arith.extui %gt3A_216 : i1 to i32
      %cond3A_218 = arith.constant 0 : i32
      %cond3A_219 = arith.cmpi ne, %convert_element_type3A_217, %cond3A_218 : i32
      scf.if %cond3A_219 {
        %dma_wait3A_229 = arith.constant 0 : i32
        %dma_wait3A_230 = tpu.memref_slice %arg11[%add3A_196, %dma_wait3A_229] : memref<250x40xi32, #tpu.memory_space<vmem>> -> memref<1x40xi32, #tpu.memory_space<vmem>>
        %dma_wait3A_231 = tpu.memref_squeeze %dma_wait3A_230 : memref<1x40xi32, #tpu.memory_space<vmem>> -> memref<40xi32, #tpu.memory_space<vmem>>
        %dma_wait3A_232 = arith.constant 0 : i32
        %dma_wait3A_233 = arith.constant 0 : i32
        %dma_wait3A_234 = tpu.memref_slice %arg13[%dma_wait3A_232, %dma_wait3A_233] : memref<10000x128xf32, #tpu.memory_space<vmem_shared>> -> memref<10000x128xf32, #tpu.memory_space<vmem_shared>>
        tpu.wait_indirect_dma semaphore(%arg28 : memref<!tpu.dma_semaphore, #tpu.memory_space<semaphore_mem>>) src(%arg18 : memref<40x128xf32, #tpu.memory_space<vmem>>) dst(%dma_wait3A_234 : memref<10000x128xf32, #tpu.memory_space<vmem_shared>>)
        %dma_wait3A_235 = arith.constant 0 : i32
        %dma_wait3A_236 = tpu.memref_slice %arg11[%add3A_196, %dma_wait3A_235] : memref<250x40xi32, #tpu.memory_space<vmem>> -> memref<1x40xi32, #tpu.memory_space<vmem>>
        %dma_wait3A_237 = tpu.memref_squeeze %dma_wait3A_236 : memref<1x40xi32, #tpu.memory_space<vmem>> -> memref<40xi32, #tpu.memory_space<vmem>>
        %dma_wait3A_238 = arith.constant 0 : i32
        %dma_wait3A_239 = arith.constant 0 : i32
        %dma_wait3A_240 = tpu.memref_slice %arg14[%dma_wait3A_238, %dma_wait3A_239] : memref<10000x8xf32, #tpu.memory_space<vmem_shared>> -> memref<10000x8xf32, #tpu.memory_space<vmem_shared>>
        tpu.wait_indirect_dma semaphore(%arg33 : memref<!tpu.dma_semaphore, #tpu.memory_space<semaphore_mem>>) src(%arg12 : memref<40x8xf32, #tpu.memory_space<vmem>>) dst(%dma_wait3A_240 : memref<10000x8xf32, #tpu.memory_space<vmem_shared>>)
      } else {
      }
      %add3A_220 = arith.constant 5 : i32
      %add3A_221 = arith.addi %add3A_196, %add3A_220 : i32
      %sub3A_222 = arith.constant 1 : i32
      %sub3A_223 = arith.subi %add3A_221, %sub3A_222 : i32
      %lt3A_224 = arith.constant 250 : i32
      %lt3A_225 = arith.cmpi slt, %sub3A_223, %lt3A_224 : i32
      %convert_element_type3A_226 = arith.extui %lt3A_225 : i1 to i32
      %cond3A_227 = arith.constant 0 : i32
      %cond3A_228 = arith.cmpi ne, %convert_element_type3A_226, %cond3A_227 : i32
      scf.if %cond3A_228 {
        %add3A_229 = arith.constant 5 : i32
        %add3A_230 = arith.addi %add3A_196, %add3A_229 : i32
        %sub3A_231 = arith.constant 1 : i32
        %sub3A_232 = arith.subi %add3A_230, %sub3A_231 : i32
        %dma_start3A_233 = arith.constant 0 : i32
        %dma_start3A_234 = tpu.memref_slice %arg10[%sub3A_232, %dma_start3A_233] : memref<250x40xi32, #tpu.memory_space<vmem>> -> memref<1x40xi32, #tpu.memory_space<vmem>>
        %dma_start3A_235 = tpu.memref_squeeze %dma_start3A_234 : memref<1x40xi32, #tpu.memory_space<vmem>> -> memref<40xi32, #tpu.memory_space<vmem>>
        %dma_start3A_236 = arith.constant 0 : i32
        %dma_start3A_237 = arith.constant 0 : i32
        %dma_start3A_238 = tpu.memref_slice %arg2[%dma_start3A_236, %dma_start3A_237] : memref<10000x128xf32, #tpu.memory_space<hbm>> -> memref<10000x128xf32, #tpu.memory_space<hbm>>
        tpu.enqueue_indirect_dma source(%dma_start3A_238 : memref<10000x128xf32, #tpu.memory_space<hbm>>) target(%arg18 : memref<40x128xf32, #tpu.memory_space<vmem>>) offsets(%dma_start3A_235 : memref<40xi32, #tpu.memory_space<vmem>>) semaphore(%arg23 : memref<!tpu.dma_semaphore, #tpu.memory_space<semaphore_mem>>)
      } else {
      }
    }
    %scan3A_36 = arith.constant 50 : i32
    %dma_wait3A = arith.constant 249 : i32
    %dma_wait3A_37 = arith.constant 0 : i32
    %dma_wait3A_38 = tpu.memref_slice %arg11[%dma_wait3A, %dma_wait3A_37] : memref<250x40xi32, #tpu.memory_space<vmem>> -> memref<1x40xi32, #tpu.memory_space<vmem>>
    %dma_wait3A_39 = tpu.memref_squeeze %dma_wait3A_38 : memref<1x40xi32, #tpu.memory_space<vmem>> -> memref<40xi32, #tpu.memory_space<vmem>>
    %dma_wait3A_40 = arith.constant 0 : i32
    %dma_wait3A_41 = arith.constant 0 : i32
    %dma_wait3A_42 = tpu.memref_slice %arg13[%dma_wait3A_40, %dma_wait3A_41] : memref<10000x128xf32, #tpu.memory_space<vmem_shared>> -> memref<10000x128xf32, #tpu.memory_space<vmem_shared>>
    tpu.wait_indirect_dma semaphore(%arg29 : memref<!tpu.dma_semaphore, #tpu.memory_space<semaphore_mem>>) src(%arg19 : memref<40x128xf32, #tpu.memory_space<vmem>>) dst(%dma_wait3A_42 : memref<10000x128xf32, #tpu.memory_space<vmem_shared>>)
    %dma_wait3A_43 = arith.constant 249 : i32
    %dma_wait3A_44 = arith.constant 0 : i32
    %dma_wait3A_45 = tpu.memref_slice %arg11[%dma_wait3A_43, %dma_wait3A_44] : memref<250x40xi32, #tpu.memory_space<vmem>> -> memref<1x40xi32, #tpu.memory_space<vmem>>
    %dma_wait3A_46 = tpu.memref_squeeze %dma_wait3A_45 : memref<1x40xi32, #tpu.memory_space<vmem>> -> memref<40xi32, #tpu.memory_space<vmem>>
    %dma_wait3A_47 = arith.constant 0 : i32
    %dma_wait3A_48 = arith.constant 0 : i32
    %dma_wait3A_49 = tpu.memref_slice %arg14[%dma_wait3A_47, %dma_wait3A_48] : memref<10000x8xf32, #tpu.memory_space<vmem_shared>> -> memref<10000x8xf32, #tpu.memory_space<vmem_shared>>
    tpu.wait_indirect_dma semaphore(%arg34 : memref<!tpu.dma_semaphore, #tpu.memory_space<semaphore_mem>>) src(%arg12 : memref<40x8xf32, #tpu.memory_space<vmem>>) dst(%dma_wait3A_49 : memref<10000x8xf32, #tpu.memory_space<vmem_shared>>)
    %barrier3A_50 = arith.constant 0 : index
    tpu.barrier barrier_id(%barrier3A_50)
    %mul3A_51 = arith.constant 625 : i32
    %mul3A_52 = arith.muli %arg1, %mul3A_51 : i32
    "tpu.region"() ({
      %run_scoped3A = tpu.sem_alloc : memref<!tpu.dma_semaphore, #tpu.memory_space<semaphore_mem>>
      %dma_start3A_53 = arith.constant 0 : i32
      %dma_start3A_54 = arith.constant 0 : i32
      %dma_start3A_55 = tpu.memref_slice %arg8[%arg0, %dma_start3A_53, %dma_start3A_54] : memref<2x10000x128xf32, #tpu.memory_space<hbm>> -> memref<1x10000x128xf32, #tpu.memory_space<hbm>>
      %dma_start3A_56 = tpu.memref_squeeze %dma_start3A_55 : memref<1x10000x128xf32, #tpu.memory_space<hbm>> -> memref<10000x128xf32, #tpu.memory_space<hbm>>
      %dma_start3A_57 = arith.constant 0 : i32
      %dma_start3A_58 = tpu.memref_slice %dma_start3A_56[%mul3A_52, %dma_start3A_57] : memref<10000x128xf32, #tpu.memory_space<hbm>> -> memref<625x128xf32, #tpu.memory_space<hbm>>
      %dma_start3A_59 = arith.constant 0 : i32
      %dma_start3A_60 = tpu.memref_slice %arg13[%mul3A_52, %dma_start3A_59] : memref<10000x128xf32, #tpu.memory_space<vmem_shared>> -> memref<625x128xf32, #tpu.memory_space<vmem_shared>>
      tpu.enqueue_dma source(%dma_start3A_60 : memref<625x128xf32, #tpu.memory_space<vmem_shared>>) target(%dma_start3A_58 : memref<625x128xf32, #tpu.memory_space<hbm>>) target_semaphore(%run_scoped3A : memref<!tpu.dma_semaphore, #tpu.memory_space<semaphore_mem>>)
      %dma_wait3A_61 = arith.constant 0 : i32
      %dma_wait3A_62 = arith.constant 0 : i32
      %dma_wait3A_63 = tpu.memref_slice %arg8[%arg0, %dma_wait3A_61, %dma_wait3A_62] : memref<2x10000x128xf32, #tpu.memory_space<hbm>> -> memref<1x10000x128xf32, #tpu.memory_space<hbm>>
      %dma_wait3A_64 = tpu.memref_squeeze %dma_wait3A_63 : memref<1x10000x128xf32, #tpu.memory_space<hbm>> -> memref<10000x128xf32, #tpu.memory_space<hbm>>
      %dma_wait3A_65 = arith.constant 0 : i32
      %dma_wait3A_66 = tpu.memref_slice %dma_wait3A_64[%mul3A_52, %dma_wait3A_65] : memref<10000x128xf32, #tpu.memory_space<hbm>> -> memref<625x128xf32, #tpu.memory_space<hbm>>
      %dma_wait3A_67 = arith.constant 0 : i32
      %dma_wait3A_68 = tpu.memref_slice %arg13[%mul3A_52, %dma_wait3A_67] : memref<10000x128xf32, #tpu.memory_space<vmem_shared>> -> memref<625x128xf32, #tpu.memory_space<vmem_shared>>
      tpu.wait_dma2 semaphore(%run_scoped3A : memref<!tpu.dma_semaphore, #tpu.memory_space<semaphore_mem>>) src(%dma_wait3A_68 : memref<625x128xf32, #tpu.memory_space<vmem_shared>>) dst(%dma_wait3A_66 : memref<625x128xf32, #tpu.memory_space<hbm>>)
      tpu.yield
    }) : () -> ()
    "tpu.region"() ({
      %run_scoped3A = tpu.sem_alloc : memref<!tpu.dma_semaphore, #tpu.memory_space<semaphore_mem>>
      %dma_start3A_53 = arith.constant 0 : i32
      %dma_start3A_54 = arith.constant 0 : i32
      %dma_start3A_55 = tpu.memref_slice %arg9[%arg0, %dma_start3A_53, %dma_start3A_54] : memref<2x10000x8xf32, #tpu.memory_space<hbm>> -> memref<1x10000x8xf32, #tpu.memory_space<hbm>>
      %dma_start3A_56 = tpu.memref_squeeze %dma_start3A_55 : memref<1x10000x8xf32, #tpu.memory_space<hbm>> -> memref<10000x8xf32, #tpu.memory_space<hbm>>
      %dma_start3A_57 = arith.constant 0 : i32
      %dma_start3A_58 = tpu.memref_slice %dma_start3A_56[%mul3A_52, %dma_start3A_57] : memref<10000x8xf32, #tpu.memory_space<hbm>> -> memref<625x8xf32, #tpu.memory_space<hbm>>
      %dma_start3A_59 = arith.constant 0 : i32
      %dma_start3A_60 = tpu.memref_slice %arg14[%mul3A_52, %dma_start3A_59] : memref<10000x8xf32, #tpu.memory_space<vmem_shared>> -> memref<625x8xf32, #tpu.memory_space<vmem_shared>>
      tpu.enqueue_dma source(%dma_start3A_60 : memref<625x8xf32, #tpu.memory_space<vmem_shared>>) target(%dma_start3A_58 : memref<625x8xf32, #tpu.memory_space<hbm>>) target_semaphore(%run_scoped3A : memref<!tpu.dma_semaphore, #tpu.memory_space<semaphore_mem>>)
      %dma_wait3A_61 = arith.constant 0 : i32
      %dma_wait3A_62 = arith.constant 0 : i32
      %dma_wait3A_63 = tpu.memref_slice %arg9[%arg0, %dma_wait3A_61, %dma_wait3A_62] : memref<2x10000x8xf32, #tpu.memory_space<hbm>> -> memref<1x10000x8xf32, #tpu.memory_space<hbm>>
      %dma_wait3A_64 = tpu.memref_squeeze %dma_wait3A_63 : memref<1x10000x8xf32, #tpu.memory_space<hbm>> -> memref<10000x8xf32, #tpu.memory_space<hbm>>
      %dma_wait3A_65 = arith.constant 0 : i32
      %dma_wait3A_66 = tpu.memref_slice %dma_wait3A_64[%mul3A_52, %dma_wait3A_65] : memref<10000x8xf32, #tpu.memory_space<hbm>> -> memref<625x8xf32, #tpu.memory_space<hbm>>
      %dma_wait3A_67 = arith.constant 0 : i32
      %dma_wait3A_68 = tpu.memref_slice %arg14[%mul3A_52, %dma_wait3A_67] : memref<10000x8xf32, #tpu.memory_space<vmem_shared>> -> memref<625x8xf32, #tpu.memory_space<vmem_shared>>
      tpu.wait_dma2 semaphore(%run_scoped3A : memref<!tpu.dma_semaphore, #tpu.memory_space<semaphore_mem>>) src(%dma_wait3A_68 : memref<625x8xf32, #tpu.memory_space<vmem_shared>>) dst(%dma_wait3A_66 : memref<625x8xf32, #tpu.memory_space<hbm>>)
      tpu.yield
    }) : () -> ()
    return
  }
}

module attributes {stable_mosaic.version = 14 : i64} {
  func.func @_combine_body(%arg0: i32, %arg1: memref<2x10000x128xf32, #tpu.memory_space<vmem>>, %arg2: memref<2x10000x8xf32, #tpu.memory_space<vmem>>, %arg3: memref<10000x128xf32, #tpu.memory_space<vmem>>) attributes {dimension_semantics = [#tpu.dimension_semantics<arbitrary>], iteration_bounds = array<i64: 1>, scalar_prefetch = 0 : i64, scratch_operands = 0 : i64, tpu.core_type = #tpu.core_type<tc>, window_params = [{transform_indices = @transform_0, window_bounds = array<i64: 2, 10000, 128>}, {transform_indices = @transform_1, window_bounds = array<i64: 2, 10000, 8>}, {transform_indices = @transform_2, window_bounds = array<i64: 10000, 128>}]} {
    %get3A = arith.constant 0 : index
    %get3A_0 = arith.constant 0 : index
    %get3A_1 = arith.constant 0 : index
    %get3A_2 = vector.load %arg1[%get3A, %get3A_0, %get3A_1] : memref<2x10000x128xf32, #tpu.memory_space<vmem>>, vector<1x10000x128xf32>
    %get3A_3 = vector.shape_cast %get3A_2 : vector<1x10000x128xf32> to vector<10000x128xf32>
    %get3A_4 = arith.constant 1 : index
    %get3A_5 = arith.constant 0 : index
    %get3A_6 = arith.constant 0 : index
    %get3A_7 = vector.load %arg1[%get3A_4, %get3A_5, %get3A_6] : memref<2x10000x128xf32, #tpu.memory_space<vmem>>, vector<1x10000x128xf32>
    %get3A_8 = vector.shape_cast %get3A_7 : vector<1x10000x128xf32> to vector<10000x128xf32>
    %add3A = arith.addf %get3A_3, %get3A_8 : vector<10000x128xf32>
    %get3A_9 = arith.constant 0 : index
    %get3A_10 = arith.constant 0 : index
    %get3A_11 = arith.constant 0 : index
    %get3A_12 = vector.load %arg2[%get3A_9, %get3A_10, %get3A_11] : memref<2x10000x8xf32, #tpu.memory_space<vmem>>, vector<1x10000x1xf32>
    %get3A_13 = vector.shape_cast %get3A_12 : vector<1x10000x1xf32> to vector<10000x1xf32>
    %get3A_14 = arith.constant 1 : index
    %get3A_15 = arith.constant 0 : index
    %get3A_16 = arith.constant 0 : index
    %get3A_17 = vector.load %arg2[%get3A_14, %get3A_15, %get3A_16] : memref<2x10000x8xf32, #tpu.memory_space<vmem>>, vector<1x10000x1xf32>
    %get3A_18 = vector.shape_cast %get3A_17 : vector<1x10000x1xf32> to vector<10000x1xf32>
    %add3A_19 = arith.addf %get3A_13, %get3A_18 : vector<10000x1xf32>
    %max3A = arith.constant 1.000000e+00 : f32
    %max3A_20 = vector.broadcast %max3A : f32 to vector<10000x1xf32>
    %max3A_21 = arith.maximumf %add3A_19, %max3A_20 : vector<10000x1xf32>
    %div3A = vector.broadcast %max3A_21 : vector<10000x1xf32> to vector<10000x128xf32>
    %div3A_22 = arith.divf %add3A, %div3A : vector<10000x128xf32>
    %swap3A = arith.constant 0 : index
    %swap3A_23 = arith.constant 0 : index
    %swap3A_24 = vector.load %arg3[%swap3A, %swap3A_23] : memref<10000x128xf32, #tpu.memory_space<vmem>>, vector<10000x128xf32>
    tpu.vector_store %arg3[%swap3A, %swap3A_23], %div3A_22 {strides = array<i32>} : memref<10000x128xf32, #tpu.memory_space<vmem>>, vector<10000x128xf32>,
    return
  }
  func.func @transform_0(%arg0: i32) -> (i32, i32, i32) {
    %c0_i32 = arith.constant 0 : i32
    %c0_i32_0 = arith.constant 0 : i32
    %c0_i32_1 = arith.constant 0 : i32
    return %c0_i32, %arg0, %c0_i32_0 : i32, i32, i32
  }
  func.func @transform_1(%arg0: i32) -> (i32, i32, i32) {
    %c0_i32 = arith.constant 0 : i32
    %c0_i32_0 = arith.constant 0 : i32
    %c0_i32_1 = arith.constant 0 : i32
    return %c0_i32, %arg0, %c0_i32_0 : i32, i32, i32
  }
  func.func @transform_2(%arg0: i32) -> (i32, i32) {
    %c0_i32 = arith.constant 0 : i32
    %c0_i32_0 = arith.constant 0 : i32
    return %arg0, %c0_i32 : i32, i32
  }
}

</mosaic_0001>

<sc_bundles>
// kernel: kernel.4.cloned.1.call-start
scs
__scs_entry_jumppad:
0x0: {  	(pc) =	sbr.rel $0x88, $3  }
0x1: {  	(tag) =	ssettag $0x0;
	lr =	simm.s32 $0x1  }
0x2: {  	[smem:$0x3F9F] =	sst lr;
	_ =	strace $0xD0000000  }
0x3: {  	_ = 	snop  }
0x4: {  	_ = 	snop  }
0x5: {  	_ = 	snop  }
0x6: {  	_ = 	snop  }
0x7: {  	_ = 	snop  }
__scs_overlays_trampoline_lowered:
0x8: {  	[smem:$0x3FAE] =	sst s0  }
0x9: {  	[smem:$0x3FAF] =	sst s1  }
0xa: {  	[smem:$0x3FB0] =	sst s2  }
0xb: {  	[smem:$0x3FB1] =	sst s3  }
0xc: {  	[smem:$0x3FB2] =	sst s4  }
0xd: {  	[smem:$0x3FB3] =	sst s5  }
0xe: {  	[smem:$0x3FB4] =	sst s6  }
0xf: {  	[smem:$0x3FB5] =	sst s7  }
0x10: {  	[smem:$0x3FB6] =	sst s8  }
0x11: {  	[smem:$0x3FB7] =	sst s9;
	s0 =	simm.s32 @!p0 $0x0  }
0x12: {  	s1 =	sld [smem:$0x3F9D];
	s0 =	simm.s32 @p0 $0x1  }
0x13: {  	[smem:$0x3FB8] =	sst s0;
	s0 =	simm.s32 @!p1 $0x0  }
0x14: {  	s2 =	sld [smem:$0x3F9C];
	s0 =	simm.s32 @p1 $0x1  }
0x15: {  	[smem:$0x3FB9] =	sst s0;
	s0 =	simm.s32 @!p2 $0x0  }
0x16: {  	s3 =	sld [smem:$0x3FDB];
	s0 =	simm.s32 @p2 $0x1  }
0x17: {  	s4 =	simm.s32 $0x1BF5;
	[smem:$0x3FBB] =	sst s0  }
0x18: {  	s0 =	sld [smem:$0x3F9E];
	_ =	swait.ge [sflag:s4], $0x0  }
0x19: {  	s7 =	sld [smem:$0x3F9F]  }
0x1a: {  	s8 =	sadd.s32 $0xFFFFE003, lr  }
0x1b: {  	s9 =	sadd.s32 $0xFFFFFEF7, lr;
	s5 =	simm.s32 $0xFFFFFFFF;
	p2 =	slt.u32 s8, $0xFFFFF086  }
0x1c: {  	p1 =	slt.u32 s9, $0xF7A;
	s5 =	simm.s32 @!p2 $0x0  }
0x1d: {  	s5 =	simm.s32 @p1 $0x1;
	p0 =	seq.s32 s7, s2  }
0x1e: {  	s7 =	smul.u32 @!p0 $0xF7A, s2;
	p2 =	seq.s32 @!p0 s5, $0x0  }
0x1f: {  	s9 =	smul.u32 $0xF7A, s1;
	s8 =	simm.s32 @!p0 $0x1BF5;
	p2 =	por !p2, p0  }
0x20: {  	[sflag:s8] =	ssyncset.s32 @!p0 $0xFFFFF086;
	s6 =	sadd.s32 @!p0 s3, s7;
	s7 =	simm.s32 @!p0 $0x108  }
0x21: {  	s3 =	sadd.s32 s3, s9;
	s6 =	sadd.s32 @!p0 $0x88, s6;
	s7 =	simm.s32 @p2 $0x1082  }
0x22: {  	[simem:s7], [sflag:s8] =	dma.local @!p0 [hbm:s6], $0xF7A  }
0x23: {  	s9 =	sor.u32 $0xD0000000, s2;
	s6 =	simm.s32 $0x108;
	_ =	swait.ge @!p0 [sflag:s8], $0x0  }
0x24: {  	s3 =	sadd.s32 $0x88, s3;
	s6 =	simm.s32 @!p1 $0x1082;
	[sflag:s4] =	ssyncset.s32 $0xFFFFF086  }
0x25: {  	[simem:s6], [sflag:s4] =	dma.local [hbm:s3], $0xF7A  }
0x26: {  	[smem:$0x3F9F] =	sst s1;
	(tag) =	ssettag s2;
	_ =	strace s9  }
0x27: {  	s1 =	sld [smem:$0x3FAF]  }
0x28: {  	s2 =	sld [smem:$0x3FB0]  }
0x29: {  	s4 =	sld [smem:$0x3FB2]  }
0x2a: {  	p0 =	seq.s32 s5, $0x0;
	s5 =	sld [smem:$0x3FB3]  }
0x2b: {  	s6 =	sld [smem:$0x3FB4]  }
0x2c: {  	s7 =	sld [smem:$0x3FB5]  }
0x2d: {  	s3 =	simm.s32 $0x108;
	s8 =	sld [smem:$0x3FB6]  }
0x2e: {  	s3 =	simm.s32 @!p0 $0x1082;
	s9 =	sld [smem:$0x3FB7]  }
0x2f: {  	lr =	sadd.s32 s0, s3;
	s0 =	sld [smem:$0x3FAE]  }
0x30: {  	s3 =	sld [smem:$0x3FB1]  }
0x31: {  	[smem:$0x3FBA] =	sst s10  }
0x32: {  	s10 =	sld [smem:$0x3FB8];
	_ =	sdelay $0x3  }
0x33: {  	p0 =	seq.s32 s10, $0x1;
	s10 =	sld [smem:$0x3FBA];
	_ =	sdelay $0x3  }
0x34: {  	[smem:$0x3FBA] =	sst s10  }
0x35: {  	s10 =	sld [smem:$0x3FB9];
	_ =	sdelay $0x3  }
0x36: {  	p1 =	seq.s32 s10, $0x1;
	s10 =	sld [smem:$0x3FBA];
	_ =	sdelay $0x3  }
0x37: {  	[smem:$0x3FBA] =	sst s10  }
0x38: {  	s10 =	sld [smem:$0x3FBB]  }
0x39: {  	_ = 	snop;
	(pc) =	sbr.ind lr, $3  }
0x3a: {  	_ = 	snop  }
0x3b: {  	_ = 	snop  }
0x3c: {  	p2 =	seq.s32 s10, $0x1;
	s10 =	sld [smem:$0x3FBA]  }
0x3d: {  	_ =	shalt  }
0x3e: {  	_ =	shalt  }
0x3f: {  	_ =	shalt  }
0x40: {  	_ =	shalt  }
0x41: {  	_ =	shalt  }
0x42: {  	_ =	shalt  }
0x43: {  	_ =	shalt  }
0x44: {  	_ =	shalt  }
0x45: {  	_ =	shalt  }
0x46: {  	_ =	shalt  }
0x47: {  	_ =	shalt  }
0x48: {  	_ =	shalt  }
0x49: {  	_ =	shalt  }
0x4a: {  	_ =	shalt  }
0x4b: {  	_ =	shalt  }
0x4c: {  	_ =	shalt  }
0x4d: {  	_ =	shalt  }
0x4e: {  	_ =	shalt  }
0x4f: {  	_ =	shalt  }
0x50: {  	_ =	shalt  }
0x51: {  	_ =	shalt  }
0x52: {  	_ =	shalt  }
0x53: {  	_ =	shalt  }
0x54: {  	_ =	shalt  }
0x55: {  	_ =	shalt  }
0x56: {  	_ =	shalt  }
0x57: {  	_ =	shalt  }
0x58: {  	_ =	shalt  }
0x59: {  	_ =	shalt  }
0x5a: {  	_ =	shalt  }
0x5b: {  	_ =	shalt  }
0x5c: {  	_ =	shalt  }
0x5d: {  	_ =	shalt  }
0x5e: {  	_ =	shalt  }
0x5f: {  	_ =	shalt  }
0x60: {  	_ =	shalt  }
0x61: {  	_ =	shalt  }
0x62: {  	_ =	shalt  }
0x63: {  	_ =	shalt  }
0x64: {  	_ =	shalt  }
0x65: {  	_ =	shalt  }
0x66: {  	_ =	shalt  }
0x67: {  	_ =	shalt  }
0x68: {  	_ =	shalt  }
0x69: {  	_ =	shalt  }
0x6a: {  	_ =	shalt  }
0x6b: {  	_ =	shalt  }
0x6c: {  	_ =	shalt  }
0x6d: {  	_ =	shalt  }
0x6e: {  	_ =	shalt  }
0x6f: {  	_ =	shalt  }
0x70: {  	_ =	shalt  }
0x71: {  	_ =	shalt  }
0x72: {  	_ =	shalt  }
0x73: {  	_ =	shalt  }
0x74: {  	_ =	shalt  }
0x75: {  	_ =	shalt  }
0x76: {  	_ =	shalt  }
0x77: {  	_ =	shalt  }
0x78: {  	_ =	shalt  }
0x79: {  	_ =	shalt  }
0x7a: {  	_ =	shalt  }
0x7b: {  	_ =	shalt  }
0x7c: {  	_ =	shalt  }
0x7d: {  	_ =	shalt  }
0x7e: {  	_ =	shalt  }
0x7f: {  	_ =	shalt  }
0x80: {  	_ =	shalt  }
0x81: {  	_ =	shalt  }
0x82: {  	_ =	shalt  }
0x83: {  	_ =	shalt  }
0x84: {  	_ =	shalt  }
0x85: {  	_ =	shalt  }
0x86: {  	_ =	shalt  }
0x87: {  	_ =	shalt  }
.Lfunc_end0:
.L_simem_size_0:
called_computation_lowered:
.L_overlay_start_0:
0x88: {  	s2 =	sld [smem:$0x3FD9]  }
0x89: {  	s3 =	sld [smem:$0x3FFE];
	_ =	sdelay $0x1  }
0x8a: {  	s1 =	srdreg.scid  }
0x8b: {  	s0 =	sand.u32 $0x1, s1  }
0x8c: {  	s17 =	sshll.u32 s0, $0xA;
	s2 =	sadd.s32 s3, s2  }
0x8d: {  	s2 =	sadd.s32 s2, s17  }
0x8e: {  	[smem:$0x3FC6] =	sst s2  }
0x8f: {  	_ = 	snop  }
0x90: {  	s2 =	sld [smem:$0x3FC9]  }
0x91: {  	s18 =	sld [smem:$0x3FD0];
	(tm) =	ssettm $0x1  }
0x92: {  	s4 =	sld [smem:$0x3FFB];
	_ =	sdelay $0x3  }
0x93: {  	_ =	strace s4  }
0x94: {  	s4 =	sld [smem:$0x3FFC];
	_ =	sdelay $0x3  }
0x95: {  	_ =	strace s4  }
0x96: {  	s4 =	sld [smem:$0x3FFD];
	_ =	sdelay $0x3  }
0x97: {  	_ =	strace s4  }
0x98: {  	_ =	strace $0x8FFFFFFF  }
0x99: {  	s19 =	sld [smem:$0x3FDB];
	_ =	sdelay $0x1  }
0x9a: {  	s5 =	simm.s32 $_scs_section_size  }
0x9b: {  	s6 =	simm.s32 $_size__tile_overlayer_lowered;
	s7 =	simm.s32 $_tile_overlayer_lowered  }
0x9c: {  	s22 =	simm.s32 $0x1BFF;
	s21 =	sshll.u32 s7, $0x1;
	s4 =	sadd.s32 s5, s19  }
0x9d: {  	s8 =	simm.s32 $0x0;
	s20 =	sshll.u32 s6, $0x1;
	s6 =	sadd.s32 s21, s4  }
0x9e: {  	[timem:s8], [sflag:s22] =	dma.local [hbm:s6], s20  }
0x9f: {  	_ =	swait.ge [sflag:s22], s20  }
0xa0: {  	s5 =	ssub.s32 $0x0, s20;
	[sflag:s22] =	ssyncset.done $0x0  }
0xa1: {  	[sflag:s22] =	ssyncadd.s32 s5;
	_ =	sdelay $0x1  }
0xa2: {  	s23 =	simm.s32 $0x1B8B  }
0xa3: {  	_ =	swait.ge [sflag:s23], $0x1  }
0xa4: {  	[sflag:s23] =	ssyncset.done $0x0  }
0xa5: {  	s25 =	simm.s32 $0x1B8E;
	s24 =	sld [smem:$0x3FFE];
	[sflag:s23] =	ssyncadd.s32 $0xFFFFFFFF  }
0xa6: {  	s26 =	simm.s32 $execute0_lowered;
	[smem:$0x3FD2] =	sst s25  }
0xa7: {  	s6 =	sshll.u32 s26, $0x1;
	_ =	strace $0x80000046;
	[dreg:$0x1] =	wrdreg $0xFFFFFFFF  }
0xa8: {  	s28 =	simm.s32 $_size_execute0_lowered;
	s4 =	sadd.s32 s4, s6;
	[dreg:$0x0] =	wrdreg $0x0  }
0xa9: {  	s6 =	sshll.u32 s28, $0x1;
	[dreg:$0x2] =	wrdreg s4  }
0xaa: {  	[dreg:$0x3] =	wrdreg s6  }
0xab: {  	[dreg:$0x4] =	wrdreg $0xC0  }
0xac: {  	_ =	task [dreg:s8], $0x5FFFF  }
0xad: {  	[dreg:$0x1] =	wrdreg $0xFFFFFFFF  }
0xae: {  	[dreg:$0x0] =	wrdreg $0x60  }
0xaf: {  	[dreg:$0x2] =	wrdreg s2  }
0xb0: {  	[dreg:$0x3] =	wrdreg s24  }
0xb1: {  	[dreg:$0x4] =	wrdreg s18  }
0xb2: {  	[dreg:$0x5] =	wrdreg $0x4F600  }
0xb3: {  	[dreg:$0x6] =	wrdreg $0x187E00  }
0xb4: {  	[dreg:$0x7] =	wrdreg $0x9  }
0xb5: {  	_ =	task.clear_ibuf [dreg:s8], $0x8FFFF;
	_ =	strace $0x90000046  }
0xb6: {  	s29 =	simm.s32 $0x9;
	_ =	strace $0x80000048  }
0xb7: {  	_ =	swait.ge [sflag:s29], $0x1  }
0xb8: {  	[sflag:s29] =	ssyncadd.s32 $0xFFFFFFFF  }
0xb9: {  	_ =	strace $0x90000048  }
0xba: {  	_ =	sfence  }
0xbb: {  	s30 =	sld [smem:$0x0];
	_ =	sdelay $0x2  }
0xbc: {  	s31 =	sshll.u32 s1, $0xD;
	s1 =	sshrl.u32 s1, $0x2  }
0xbd: {  	s3 =	sand.u32 $0x4000, s31;
	s1 =	sadd.s32 s1, s30  }
0xbe: {  	s0 =	sor.u32 s3, s0;
	s1 =	sshll.u32 s1, $0x11  }
0xbf: {  	s0 =	sor.u32 s1, s0  }
0xc0: {  	s0 =	sadd.s32 $0x8F2B, s0  }
0xc1: {  	[sflag:s0] =	ssyncadd.remote.s32 $0x1  }
0xc2: {  	_ =	sfence.sel $0xFFFF  }
0xc3: {  	[dreg:$0x0] =	wrdreg $0xFFFFFFFF;
	(pc) =	sbr.abs _section_cstart, $3  }
0xc4: {  	[dreg:$0x1] =	wrdreg $0xFFFFFFFF  }
0xc5: {  	_ =	task.clear_ibuf [dreg:s8], $0x2FFFF;
	_ =	strace $0x9FFFFFFF  }
0xc6: {  	(tm) =	ssettm $0x7FFFFFFF  }
0xc7: {  	_ =	shalt  }
tec
execute0_lowered:
.L_overlay_start_1:
0x0: {  	(tag) =	ssettag $0x1  }
0x1: {  	s0 =	rddreg [dreg:$0x0]  }
0x2: {  	s1 =	rddreg [dreg:$0x1]  }
0x3: {  	s2 =	rddreg [dreg:$0x2];
	s4 =	srdreg.scid  }
0x4: {  	s3 =	rddreg [dreg:$0x3];
	s11 =	stileid.u32;
	s7 =	simm.s32 $0x0  }
0x5: {  	s12 =	simm.s32 $0x10;
	s15 =	simm.s32 $0x28;
	s16 =	simm.s32 $0x19B68  }
0x6: {  	s17 =	simm.s32 $0x1AF68;
	s29 =	simm.s32 $0x1EB68;
	s30 =	simm.s32 $0x2  }
0x7: {  	s13 =	simm.s32 $0x9;
	s5 =	sand.u32 $0x1, s4;
	s4 =	rddreg [dreg:$0x4]  }
0x8: {  	s31 =	simm.s32 $0xF;
	[smem:$0x7FF] =	sst s7;
	s8 =	sadd.s32 $0xA600, s1  }
0x9: {  	s9 =	sadd.s32 $0xA200, s1;
	_ =	strace $0x80000047;
	[dreg:$0x6] =	wrdreg s8  }
0xa: {  	s20 =	sadd.s32 $0xA000, s1;
	s10 =	smul.u32 $0x13880, s11;
	[dreg:$0x7] =	wrdreg s9  }
0xb: {  	s6 =	sshll.u32 s5, $0x4;
	s19 =	smul.u32 $0x27100, s5;
	[dreg:$0x8] =	wrdreg s20  }
0xc: {  	s21 =	smul.u32 $0x2710, s5;
	s5 =	ssub.s32 $0x2, s5;
	s20 =	simm.s32 $0x3  }
0xd: {  	s9 =	simm.s32 $0x8;
	s6 =	sor.u32 s11, s6;
	s22 =	sshrl.u32 s5, $0x1  }
0xe: {  	s11 =	smul.u32 $0x1388, s11;
	s23 =	sadd.s32 s10, s3;
	s26 =	sshrl.u32 s10, $0x3  }
0xf: {  	s10 =	simm.s32 $0xD;
	s6 =	smul.u32 $0x4E2, s6;
	s8 =	sadd.s32 s19, s1  }
0x10: {  	s5 =	ssub.s32 s5, s22;
	[dreg:$0xa] =	wrdreg s23;
	s19 =	simm.s32 $0x1C368  }
0x11: {  	s22 =	simm.s32 $0xE;
	s24 =	sadd.s32 s11, s4;
	s25 =	sadd.s32 $0x11E00, s8  }
0x12: {  	s28 =	sshrl.u32 s11, $0x3;
	s5 =	smax.u32 s5, $0x1;
	s11 =	simm.s32 $0x5  }
0x13: {  	s8 =	simm.s32 $0x0;
	s18 =	sadd.s32 s6, s1;
	[dreg:$0xb] =	wrdreg s24  }
0x14: {  	s1 =	sadd.s32 s21, s1;
	s2 =	sadd.s32 s2, s6;
	[dreg:$0xd] =	wrdreg s5  }
0x15: {  	s21 =	simm.s32 $0x1D768;
	s6 =	simm.s32 $0xC;
	s24 =	simm.s32 $0xA  }
.Ltmp0:
0x16: {  	s7 =	sadd.s32 $0x200, s18;
	[dreg:$0xc] =	wrdreg s2;
	(pc) =	sbr.rel .LBB2_1-.Ltmp0, $4  }
0x17: {  	s1 =	sadd.s32 $0xCE00, s1;
	s2 =	sadd.s32 s26, s25;
	s25 =	simm.s32 $0x4E20  }
0x18: {  	s26 =	simm.s32 $0x1;
	s18 =	simm.s32 $0x7;
	[dreg:$0x9] =	wrdreg s7  }
0x19: {  	[dreg:$0xe] =	wrdreg s2;
	s1 =	sadd.s32 s28, s1;
	s2 =	simm.s32 $0xB  }
0x1a: {  	s7 =	simm.s32 $0x4;
	[dreg:$0xf] =	wrdreg s1;
	s1 =	simm.s32 $0x6  }
.LBB2_4:
0x1b: {  	_ =	swait.ge [sflag:s24], $0x1400  }
0x1c: {  	[sflag:s24] =	ssyncset.done $0x0  }
0x1d: {  	[sflag:s24] =	ssyncadd.s32 $0xFFFFEC00  }
0x1e: {  	_ =	swait.ge [sflag:s31], $0x140  }
0x1f: {  	[sflag:s31] =	ssyncset.done $0x0  }
0x20: {  	[sflag:s31] =	ssyncadd.s32 $0xFFFFFEC0  }
0x21: {  	[bflag:$0x0] =	sbarrier.arrive $0xFFFF  }
0x22: {  	s5 =	rddreg [dreg:$0xe]  }
0x23: {  	s8 =	rddreg [dreg:$0x11]  }
0x24: {  	s12 =	rddreg [dreg:$0x12]  }
0x25: {  	[hbm:s5], [sflag:s8] =	dma.local [spmem:s12], $0x2710  }
0x26: {  	s12 =	simm.s32 $0x10  }
0x27: {  	_ =	swait.ge [sflag:s12], $0x2710  }
0x28: {  	[sflag:s12] =	ssyncset.done $0x0;
	s28 =	rddreg [dreg:$0xf]  }
0x29: {  	s14 =	rddreg [dreg:$0x13];
	[sflag:s12] =	ssyncadd.s32 $0xFFFFD8F0  }
0x2a: {  	[hbm:s28], [sflag:s8] =	dma.local [spmem:s14], $0x271  }
0x2b: {  	_ =	swait.ge [sflag:s12], $0x271  }
0x2c: {  	s23 =	rddreg [dreg:$0x10]  }
0x2d: {  	s28 =	rddreg [dreg:$0xd];
	s8 =	sadd.s32 $0x1, s23  }
0x2e: {  	p0 =	sne.s32 s8, s28  }
.Ltmp1:
0x2f: {  	_ = 	snop;
	(pc) =	sbr.rel @!p0 .LBB2_5-.Ltmp1, $3  }
0x30: {  	_ =	sdelay $0x1  }
0x31: {  	[sflag:s12] =	ssyncset.done $0x0  }
0x32: {  	[sflag:s12] =	ssyncadd.s32 $0xFFFFFD8F  }
.LBB2_1:
0x33: {  	[dreg:$0x10] =	wrdreg s8  }
0x34: {  	s8 =	simm.s32 $0x0;
	s5 =	rddreg [dreg:$0x9]  }
0x35: {  	[tilespmem:s8], [sflag:$0x10] =	stream.linear.gather [hbm4b:s5+s8], $0x2710, $0x38;
	[tilespmem:$0x1FF68] =	vst v63  }
0x36: {  	_ =	swait.ge [sflag:s12], $0x2710  }
0x37: {  	[sflag:s12] =	ssyncset.done $0x0  }
0x38: {  	[sflag:s12] =	ssyncadd.s32 $0xFFFFD8F0  }
0x39: {  	[tilespmem:s16], [sflag:$0x1] =	stream.indirect.gather [hbm4b:s0+s15], $0x80, s8, s15, $0xb8;
	[tilespmem:$0x1FF68] =	vst v63  }
0x3a: {  	_ = 	snop  }
0x3b: {  	[tilespmem:s17], [sflag:$0x2] =	stream.indirect.gather [hbm4b:s0+s15], $0x80, s15, s15, $0xb8;
	[tilespmem:$0x1FF68] =	vst v63  }
0x3c: {  	s23 =	simm.s32 $0x50  }
0x3d: {  	[tilespmem:s19], [sflag:$0x3] =	stream.indirect.gather [hbm4b:s0+s15], $0x80, s23, s15, $0xb8;
	[tilespmem:$0x1FF68] =	vst v63  }
0x3e: {  	s28 =	simm.s32 $0x78;
	s14 =	stileid.u32;
	s23 =	rddreg [dreg:$0xa]  }
0x3f: {  	[tilespmem:s21], [sflag:$0x4] =	stream.indirect.gather [hbm4b:s0+s15], $0x80, s28, s15, $0xb8;
	[tilespmem:$0x1FF68] =	vst v63  }
0x40: {  	s5 =	sshll.u32 s14, $0x6;
	s23 =	sshrl.u32 s23, $0x3;
	s28 =	rddreg [dreg:$0x6]  }
0x41: {  	s14 =	sor.u32 $0x1C10, s5;
	[dreg:$0x12] =	wrdreg s23  }
0x42: {  	[spmem:s23], [sflag:s14] =	dma.local [hbm:s28], $0x2710  }
0x43: {  	_ =	swait.ge [sflag:s12], $0x2710;
	[dreg:$0x11] =	wrdreg s14  }
0x44: {  	s28 =	rddreg [dreg:$0xb]  }
0x45: {  	[sflag:s12] =	ssyncset.done $0x0;
	s5 =	sshrl.u32 s28, $0x3;
	s28 =	rddreg [dreg:$0x7]  }
0x46: {  	[sflag:s12] =	ssyncadd.s32 $0xFFFFD8F0;
	[dreg:$0x13] =	wrdreg s5  }
0x47: {  	[spmem:s5], [sflag:s14] =	dma.local [hbm:s28], $0x271  }
0x48: {  	_ =	swait.ge [sflag:s12], $0x271  }
0x49: {  	[sflag:s12] =	ssyncset.done $0x0  }
0x4a: {  	s23 =	simm.s32 $0x2710;
	s14 =	rddreg [dreg:$0xc];
	[sflag:s12] =	ssyncadd.s32 $0xFFFFFD8F  }
0x4b: {  	[tilespmem:s23], [sflag:$0x10] =	stream.linear.gather [hbm4b:s14+s8], $0x2710, $0x38;
	[tilespmem:$0x1FF68] =	vst v63  }
0x4c: {  	_ =	swait.ge [sflag:s12], $0x2710  }
0x4d: {  	[sflag:s12] =	ssyncset.done $0x0  }
0x4e: {  	s28 =	rddreg [dreg:$0x8];
	[sflag:s12] =	ssyncadd.s32 $0xFFFFD8F0  }
0x4f: {  	[tilespmem:s25], [sflag:$0x10] =	stream.linear.gather [hbm4b:s28+s8], $0x140, $0x38;
	[tilespmem:$0x1FF68] =	vst v63  }
0x50: {  	_ =	swait.ge [sflag:s12], $0x140  }
0x51: {  	[sflag:s12] =	ssyncset.done $0x0  }
0x52: {  	[sflag:s12] =	ssyncadd.s32 $0xFFFFFEC0  }
0x53: {  	[bflag:$0x0] =	sbarrier.arrive $0xFFFF  }
0x54: {  	_ =	swait.ge [sflag:s26], $0x1400  }
0x55: {  	[sflag:s26] =	ssyncset.done $0x0  }
0x56: {  	[sflag:s26] =	ssyncadd.s32 $0xFFFFEC00  }
0x57: {  	[spmem:s3] =	stream.indirect.scatter.add.f32 [tilespmem:s16], [sflag:$0x6], $0x80, s23, s15, $0xb8;
	[tilespmem:$0x1FF68] =	vst v63  }
0x58: {  	_ = 	snop  }
0x59: {  	[spmem:s4] =	stream.indirect.scatter.add.f32 [tilespmem:s25], [sflag:$0xB], $0x8, s23, s15, $0xb8;
	[tilespmem:$0x1FF68] =	vst v63  }
0x5a: {  	s12 =	simm.s32 $0xA0  }
0x5b: {  	[tilespmem:s29], [sflag:$0x5] =	stream.indirect.gather [hbm4b:s0+s15], $0x80, s12, s15, $0xb8;
	[tilespmem:$0x1FF68] =	vst v63  }
0x5c: {  	_ =	swait.ge [sflag:s30], $0x1400  }
0x5d: {  	[sflag:s30] =	ssyncset.done $0x0  }
0x5e: {  	s14 =	simm.s32 $0x2738;
	[sflag:s30] =	ssyncadd.s32 $0xFFFFEC00  }
0x5f: {  	[spmem:s3] =	stream.indirect.scatter.add.f32 [tilespmem:s17], [sflag:$0x7], $0x80, s14, s15, $0xb8;
	[tilespmem:$0x1FF68] =	vst v63  }
0x60: {  	_ = 	snop  }
0x61: {  	[spmem:s4] =	stream.indirect.scatter.add.f32 [tilespmem:s25], [sflag:$0xC], $0x8, s14, s15, $0xb8;
	[tilespmem:$0x1FF68] =	vst v63  }
0x62: {  	_ =	swait.ge [sflag:s1], $0x1400  }
0x63: {  	[sflag:s1] =	ssyncset.done $0x0  }
0x64: {  	[sflag:s1] =	ssyncadd.s32 $0xFFFFEC00  }
0x65: {  	_ =	swait.ge [sflag:s2], $0x140  }
0x66: {  	[sflag:s2] =	ssyncset.done $0x0  }
0x67: {  	s23 =	simm.s32 $0xC8;
	[sflag:s2] =	ssyncadd.s32 $0xFFFFFEC0  }
0x68: {  	[tilespmem:s16], [sflag:$0x1] =	stream.indirect.gather [hbm4b:s0+s15], $0x80, s23, s15, $0xb8;
	[tilespmem:$0x1FF68] =	vst v63  }
0x69: {  	_ =	swait.ge [sflag:s20], $0x1400  }
0x6a: {  	[sflag:s20] =	ssyncset.done $0x0  }
0x6b: {  	s28 =	simm.s32 $0x2760;
	[sflag:s20] =	ssyncadd.s32 $0xFFFFEC00  }
0x6c: {  	[spmem:s3] =	stream.indirect.scatter.add.f32 [tilespmem:s19], [sflag:$0x8], $0x80, s28, s15, $0xb8;
	[tilespmem:$0x1FF68] =	vst v63  }
0x6d: {  	_ = 	snop  }
0x6e: {  	[spmem:s4] =	stream.indirect.scatter.add.f32 [tilespmem:s25], [sflag:$0xD], $0x8, s28, s15, $0xb8;
	[tilespmem:$0x1FF68] =	vst v63  }
0x6f: {  	_ =	swait.ge [sflag:s18], $0x1400  }
0x70: {  	[sflag:s18] =	ssyncset.done $0x0  }
0x71: {  	[sflag:s18] =	ssyncadd.s32 $0xFFFFEC00  }
0x72: {  	_ =	swait.ge [sflag:s6], $0x140  }
0x73: {  	[sflag:s6] =	ssyncset.done $0x0  }
0x74: {  	s8 =	simm.s32 $0xF0;
	[sflag:s6] =	ssyncadd.s32 $0xFFFFFEC0  }
0x75: {  	[tilespmem:s17], [sflag:$0x2] =	stream.indirect.gather [hbm4b:s0+s15], $0x80, s8, s15, $0xb8;
	[tilespmem:$0x1FF68] =	vst v63  }
0x76: {  	_ =	swait.ge [sflag:s7], $0x1400  }
0x77: {  	[sflag:s7] =	ssyncset.done $0x0  }
0x78: {  	s12 =	simm.s32 $0x2788;
	[sflag:s7] =	ssyncadd.s32 $0xFFFFEC00  }
0x79: {  	[spmem:s3] =	stream.indirect.scatter.add.f32 [tilespmem:s21], [sflag:$0x9], $0x80, s12, s15, $0xb8;
	[tilespmem:$0x1FF68] =	vst v63  }
0x7a: {  	_ = 	snop  }
0x7b: {  	[spmem:s4] =	stream.indirect.scatter.add.f32 [tilespmem:s25], [sflag:$0xE], $0x8, s12, s15, $0xb8;
	[tilespmem:$0x1FF68] =	vst v63  }
0x7c: {  	_ =	swait.ge [sflag:s9], $0x1400  }
0x7d: {  	[sflag:s9] =	ssyncset.done $0x0  }
0x7e: {  	[sflag:s9] =	ssyncadd.s32 $0xFFFFEC00  }
0x7f: {  	_ =	swait.ge [sflag:s10], $0x140  }
0x80: {  	[sflag:s10] =	ssyncset.done $0x0  }
0x81: {  	s14 =	simm.s32 $0x118;
	[sflag:s10] =	ssyncadd.s32 $0xFFFFFEC0  }
0x82: {  	[tilespmem:s19], [sflag:$0x3] =	stream.indirect.gather [hbm4b:s0+s15], $0x80, s14, s15, $0xb8;
	[tilespmem:$0x1FF68] =	vst v63  }
0x83: {  	_ =	swait.ge [sflag:s11], $0x1400  }
0x84: {  	[sflag:s11] =	ssyncset.done $0x0  }
0x85: {  	s23 =	simm.s32 $0x27B0;
	[sflag:s11] =	ssyncadd.s32 $0xFFFFEC00  }
0x86: {  	[spmem:s3] =	stream.indirect.scatter.add.f32 [tilespmem:s29], [sflag:$0xA], $0x80, s23, s15, $0xb8;
	[tilespmem:$0x1FF68] =	vst v63  }
0x87: {  	_ = 	snop  }
0x88: {  	[spmem:s4] =	stream.indirect.scatter.add.f32 [tilespmem:s25], [sflag:$0xF], $0x8, s23, s15, $0xb8;
	[tilespmem:$0x1FF68] =	vst v63  }
0x89: {  	_ =	swait.ge [sflag:s13], $0x1400  }
0x8a: {  	[sflag:s13] =	ssyncset.done $0x0  }
0x8b: {  	[sflag:s13] =	ssyncadd.s32 $0xFFFFEC00  }
0x8c: {  	_ =	swait.ge [sflag:s22], $0x140  }
0x8d: {  	[sflag:s22] =	ssyncset.done $0x0  }
0x8e: {  	s5 =	simm.s32 $0x0;
	s28 =	simm.s32 $0x140;
	[sflag:s22] =	ssyncadd.s32 $0xFFFFFEC0  }
0x8f: {  	[tilespmem:s21], [sflag:$0x4] =	stream.indirect.gather [hbm4b:s0+s15], $0x80, s28, s15, $0xb8;
	[tilespmem:$0x1FF68] =	vst v63  }
.LBB2_2:
0x90: {  	_ =	swait.ge [sflag:s26], $0x1400  }
0x91: {  	s12 =	sshra.s32 s5, $0x2;
	[sflag:s26] =	ssyncset.done $0x0  }
0x92: {  	s23 =	sadd.s32 $0x27D8, s12;
	[sflag:s26] =	ssyncadd.s32 $0xFFFFEC00  }
0x93: {  	[spmem:s3] =	stream.indirect.scatter.add.f32 [tilespmem:s16], [sflag:$0x6], $0x80, s23, s15, $0xb8;
	[tilespmem:$0x1FF68] =	vst v63  }
0x94: {  	_ = 	snop  }
0x95: {  	[spmem:s4] =	stream.indirect.scatter.add.f32 [tilespmem:s25], [sflag:$0xB], $0x8, s23, s15, $0xb8;
	[tilespmem:$0x1FF68] =	vst v63  }
0x96: {  	_ =	swait.ge [sflag:s24], $0x1400  }
0x97: {  	[sflag:s24] =	ssyncset.done $0x0  }
0x98: {  	[sflag:s24] =	ssyncadd.s32 $0xFFFFEC00  }
0x99: {  	_ =	swait.ge [sflag:s31], $0x140  }
0x9a: {  	[sflag:s31] =	ssyncset.done $0x0  }
0x9b: {  	s28 =	sadd.s32 $0x168, s12;
	[sflag:s31] =	ssyncadd.s32 $0xFFFFFEC0  }
0x9c: {  	[tilespmem:s29], [sflag:$0x5] =	stream.indirect.gather [hbm4b:s0+s15], $0x80, s28, s15, $0xb8;
	[tilespmem:$0x1FF68] =	vst v63  }
0x9d: {  	_ =	swait.ge [sflag:s30], $0x1400  }
0x9e: {  	[sflag:s30] =	ssyncset.done $0x0  }
0x9f: {  	s8 =	sadd.s32 $0x2800, s12;
	[sflag:s30] =	ssyncadd.s32 $0xFFFFEC00  }
0xa0: {  	[spmem:s3] =	stream.indirect.scatter.add.f32 [tilespmem:s17], [sflag:$0x7], $0x80, s8, s15, $0xb8;
	[tilespmem:$0x1FF68] =	vst v63  }
0xa1: {  	_ = 	snop  }
0xa2: {  	[spmem:s4] =	stream.indirect.scatter.add.f32 [tilespmem:s25], [sflag:$0xC], $0x8, s8, s15, $0xb8;
	[tilespmem:$0x1FF68] =	vst v63  }
0xa3: {  	_ =	swait.ge [sflag:s1], $0x1400  }
0xa4: {  	[sflag:s1] =	ssyncset.done $0x0  }
0xa5: {  	[sflag:s1] =	ssyncadd.s32 $0xFFFFEC00  }
0xa6: {  	p0 =	seq.s32 s5, $0x9600;
	_ =	swait.ge [sflag:s2], $0x140  }
0xa7: {  	s14 =	simm.s32 @!p0 $0x19B68;
	s23 =	sshra.s32 @!p0 s5, $0x2;
	[sflag:s2] =	ssyncset.done $0x0  }
0xa8: {  	s28 =	simm.s32 @!p0 $0x28;
	s8 =	sadd.s32 @!p0 $0x190, s23;
	[sflag:s2] =	ssyncadd.s32 $0xFFFFFEC0  }
0xa9: {  	[tilespmem:s14], [sflag:$0x1] =	stream.indirect.gather @!p0 [hbm4b:s0+s28], $0x80, s8, s28, $0xb8;
	[tilespmem:$0x1FF68] =	vst v63  }
0xaa: {  	_ =	swait.ge [sflag:s20], $0x1400  }
0xab: {  	[sflag:s20] =	ssyncset.done $0x0  }
0xac: {  	s14 =	sadd.s32 $0x2828, s12;
	[sflag:s20] =	ssyncadd.s32 $0xFFFFEC00  }
0xad: {  	[spmem:s3] =	stream.indirect.scatter.add.f32 [tilespmem:s19], [sflag:$0x8], $0x80, s14, s15, $0xb8;
	[tilespmem:$0x1FF68] =	vst v63  }
0xae: {  	_ = 	snop  }
0xaf: {  	[spmem:s4] =	stream.indirect.scatter.add.f32 [tilespmem:s25], [sflag:$0xD], $0x8, s14, s15, $0xb8;
	[tilespmem:$0x1FF68] =	vst v63  }
0xb0: {  	_ =	swait.ge [sflag:s18], $0x1400  }
0xb1: {  	[sflag:s18] =	ssyncset.done $0x0  }
0xb2: {  	[sflag:s18] =	ssyncadd.s32 $0xFFFFEC00  }
0xb3: {  	_ =	swait.ge [sflag:s6], $0x140  }
0xb4: {  	[sflag:s6] =	ssyncset.done $0x0  }
0xb5: {  	s8 =	sadd.s32 @!p0 $0x1B8, s23;
	s14 =	simm.s32 @!p0 $0x1AF68;
	[sflag:s6] =	ssyncadd.s32 $0xFFFFFEC0  }
0xb6: {  	[tilespmem:s14], [sflag:$0x2] =	stream.indirect.gather @!p0 [hbm4b:s0+s28], $0x80, s8, s28, $0xb8;
	[tilespmem:$0x1FF68] =	vst v63  }
0xb7: {  	_ =	swait.ge [sflag:s7], $0x1400  }
0xb8: {  	[sflag:s7] =	ssyncset.done $0x0  }
0xb9: {  	s14 =	sadd.s32 $0x2850, s12;
	[sflag:s7] =	ssyncadd.s32 $0xFFFFEC00  }
0xba: {  	[spmem:s3] =	stream.indirect.scatter.add.f32 [tilespmem:s21], [sflag:$0x9], $0x80, s14, s15, $0xb8;
	[tilespmem:$0x1FF68] =	vst v63  }
0xbb: {  	_ = 	snop  }
0xbc: {  	[spmem:s4] =	stream.indirect.scatter.add.f32 [tilespmem:s25], [sflag:$0xE], $0x8, s14, s15, $0xb8;
	[tilespmem:$0x1FF68] =	vst v63  }
0xbd: {  	_ =	swait.ge [sflag:s9], $0x1400  }
0xbe: {  	[sflag:s9] =	ssyncset.done $0x0  }
0xbf: {  	[sflag:s9] =	ssyncadd.s32 $0xFFFFEC00  }
0xc0: {  	_ =	swait.ge [sflag:s10], $0x140  }
0xc1: {  	[sflag:s10] =	ssyncset.done $0x0  }
0xc2: {  	s8 =	sadd.s32 @!p0 $0x1E0, s23;
	s14 =	simm.s32 @!p0 $0x1C368;
	[sflag:s10] =	ssyncadd.s32 $0xFFFFFEC0  }
0xc3: {  	[tilespmem:s14], [sflag:$0x3] =	stream.indirect.gather @!p0 [hbm4b:s0+s28], $0x80, s8, s28, $0xb8;
	[tilespmem:$0x1FF68] =	vst v63  }
0xc4: {  	_ =	swait.ge [sflag:s11], $0x1400  }
0xc5: {  	[sflag:s11] =	ssyncset.done $0x0  }
0xc6: {  	s28 =	sadd.s32 $0x2878, s12;
	[sflag:s11] =	ssyncadd.s32 $0xFFFFEC00  }
0xc7: {  	[spmem:s3] =	stream.indirect.scatter.add.f32 [tilespmem:s29], [sflag:$0xA], $0x80, s28, s15, $0xb8;
	[tilespmem:$0x1FF68] =	vst v63  }
0xc8: {  	_ = 	snop  }
0xc9: {  	[spmem:s4] =	stream.indirect.scatter.add.f32 [tilespmem:s25], [sflag:$0xF], $0x8, s28, s15, $0xb8;
	[tilespmem:$0x1FF68] =	vst v63  }
0xca: {  	_ =	swait.ge [sflag:s13], $0x1400  }
.Ltmp2:
0xcb: {  	[sflag:s13] =	ssyncset.done $0x0;
	(pc) =	sbr.rel @p0 .LBB2_4-.Ltmp2, $4  }
0xcc: {  	[sflag:s13] =	ssyncadd.s32 $0xFFFFEC00  }
0xcd: {  	_ =	swait.ge [sflag:s22], $0x140  }
0xce: {  	[sflag:s22] =	ssyncset.done $0x0  }
0xcf: {  	[sflag:s22] =	ssyncadd.s32 $0xFFFFFEC0  }
.Ltmp3:
0xd0: {  	(pc) =	sbr.rel .LBB2_2-.Ltmp3, $3  }
0xd1: {  	_ =	sdelay $0x1  }
0xd2: {  	s8 =	sadd.s32 $0x208, s12;
	s5 =	sadd.s32 $0x320, s5  }
0xd3: {  	[tilespmem:s21], [sflag:$0x4] =	stream.indirect.gather [hbm4b:s0+s15], $0x80, s8, s15, $0xb8;
	[tilespmem:$0x1FF68] =	vst v63  }
.LBB2_5:
0xd4: {  	_ =	sfence.sel $0x180000  }
0xd5: {  	[bflag:$0x0] =	sbarrier.arrive $0xFFFF  }
0xd6: {  	_ =	strace $0x90000047  }
0xd7: {  	s0 =	stileid.u32;
	[bflag:$0x2] =	sbarrier.arrive $0xFFFF  }
0xd8: {  	p0 =	sne.s32 s0, $0x0;
	s0 =	rddreg [dreg:$0x5]  }
0xd9: {  	s0 =	sadd.s32 @!p0 $0x100000, s0  }
0xda: {  	[sflag:s0] =	ssyncadd.tile.s32 @!p0 $0x1;
	_ =	shalt  }
.Lfunc_end2:
_tile_overlayer_lowered:
.L_overlay_start_2:
0xdb: {  	(tag) =	ssettag $0x2  }
0xdc: {  	s0 =	rddreg [dreg:$0x0];
	s2 =	stileid.u32  }
0xdd: {  	s1 =	rddreg [dreg:$0x1];
	p0 =	sne.s32 s2, $0x0  }
0xde: {  	s3 =	rddreg [dreg:$0x2];
	[bflag:$0x3] =	sbarrier.arrive $0xFFFF;
	s2 =	simm.s32 @!p0 $0x1C10  }
0xdf: {  	[timem:s3], [sflag:s2] =	dma.local @!p0 [hbm:s0], s1  }
0xe0: {  	s0 =	simm.s32 @!p0 $0x10  }
0xe1: {  	_ =	swait.ge @!p0 [sflag:s0], s1  }
0xe2: {  	s1 =	ssub.s32 @!p0 $0x0, s1;
	[sflag:s0] =	ssyncset.done @!p0 $0x0  }
0xe3: {  	[sflag:s0] =	ssyncadd.s32 @!p0 s1  }
0xe4: {  	[bflag:$0x3] =	sbarrier.arrive $0xFFFF  }
0xe5: {  	_ =	shalt  }

</sc_bundles>
